<compile_context>
chip_gen: v7x
topology: tpu7x:2x2x1
jax: 0.10.2.dev20260603
libtpu: 0.0.44.dev20260713+nightly
codegen_flags: <defaults>
</compile_context>

<pallas_src>
import functools

import jax
import jax.numpy as jnp
from jax import lax
from jax.experimental import pallas as pl
from jax.experimental.pallas import tpu as pltpu
from jax.experimental.pallas import tpu_sc as plsc

B, L = 1024, 256
NC, NS = 2, 16
NW = NC * NS
RPW = B // NW
LANES = 16
NCH = L // LANES

_mesh = plsc.VectorSubcoreMesh(core_axis_name="c", subcore_axis_name="s")


@functools.partial(
    pl.kernel,
    mesh=_mesh,
    compiler_params=pltpu.CompilerParams(needs_layout_passes=False,
                                         skip_device_barrier=True),
    out_type=jax.ShapeDtypeStruct((NW, LANES), jnp.float32),
    scratch_types=[
        pltpu.VMEM((RPW, L), jnp.float32),
        pltpu.VMEM((RPW, L), jnp.int32),
        pltpu.VMEM((LANES,), jnp.float32),
        pltpu.SemaphoreType.DMA,
        pltpu.SemaphoreType.DMA,
    ],
)
def _bpmll_partials(x_hbm, t_hbm, out_hbm, x_v, t_v, o_v, sem_x, sem_t):
    wid = lax.axis_index("s") * NC + lax.axis_index("c")
    base = wid * RPW
    cx = pltpu.async_copy(x_hbm.at[pl.ds(base, RPW)], x_v, sem_x)
    ct = pltpu.async_copy(t_hbm.at[pl.ds(base, RPW)], t_v, sem_t)
    cx.wait()
    ct.wait()

    zf = jnp.zeros((LANES,), jnp.float32)
    zi = jnp.zeros((LANES,), jnp.int32)
    lane = lax.iota(jnp.int32, LANES)
    perms = [lane ^ sh for sh in (8, 4, 2, 1)]
    lvec = jnp.full((LANES,), jnp.float32(L))

    def row_body(r, acc):
        tot = zf
        spos = zf
        cnt = zi
        for j in range(NCH):
            xv = x_v[r, pl.ds(j * LANES, LANES)]
            tv = t_v[r, pl.ds(j * LANES, LANES)]
            fx = plsc.bitcast(plsc.bitcast(xv, jnp.int32) ^ (tv << 31),
                              jnp.float32)
            e = jnp.exp(fx)
            tot = tot + e
            spos = spos + jnp.where(tv == 1, e, zf)
            cnt = cnt + tv
        cntf = cnt.astype(jnp.float32)
        for p in perms:
            tot = tot + tot[p]
            spos = spos + spos[p]
            cntf = cntf + cntf[p]
        sneg = tot - spos
        num = sneg * spos
        den = cntf * (lvec - cntf)
        return acc + num / den

    acc = lax.fori_loop(0, RPW, row_body, zf)
    o_v[...] = acc * jnp.float32(1.0 / (B * LANES))
    pltpu.sync_copy(o_v, out_hbm.at[wid])


def kernel(input, target):
    parts = _bpmll_partials(input, target.astype(jnp.int32))
    return parts.sum()

# --- scband reference (transcript-rebuilt; emitter-appended) ---
"""Pipeline reference for scband-bpmllloss-27281632264919 (READ-ONLY COPY).

The authoritative reference and input builder live on the scoring server;
editing this copy changes nothing except your own understanding.
"""

import jax, jax.numpy as jnp
import numpy as np


def setup_inputs(seed: int = 0) -> dict:
    key = jax.random.key(seed)
    k1, k2 = jax.random.split(key)
    inp = jax.random.normal(k1, (1024, 256), dtype=jnp.float32)
    target = jax.random.randint(k2, (1024, 256), 0, 2, dtype=jnp.int64)
    return {"input": inp, "target": target}


def reference(input, target):
    # BPMLL loss (Zhang & Zhou). The original torch code references `output`
    # and `y_norm`; faithfully, `output` is the model scores (`input`) and
    # y_norm = |Y_i| * |Y_i_bar| per sample (standard BPMLL normalization).
    bsz = target.shape[0]
    y_i = target == 1                      # [B, L] positives
    y_i_bar = target != 1                  # [B, L] negatives
    # truth_matrix[b, j, k] = y_i[b, j] & y_i_bar[b, k]
    truth_matrix = jnp.logical_and(y_i[:, :, None], y_i_bar[:, None, :])
    # exp_matrix[b, j, k] = exp(input[b, k] - input[b, j])
    exp_matrix = jnp.exp(input[:, None, :] - input[:, :, None])
    # masked sum over all (positive, negative) pairs per sample; equivalent to
    # the pad_sequence/split/sum construction in the torch code.
    batch_losses = jnp.sum(jnp.where(truth_matrix, exp_matrix, 0.0), axis=(1, 2))
    y_norm = (y_i.sum(axis=1) * y_i_bar.sum(axis=1)).astype(input.dtype)
    losses = batch_losses / y_norm
    loss = (losses / bsz).sum()
    return loss

if __name__ == "__main__":
    import jax
    _d = setup_inputs()
    print(jax.jit(kernel)(*tuple(_d.values())))

</pallas_src>

<mosaic_0001>
#map = affine_map<(d0, d1) -> (0, 0)>
module attributes {stable_mosaic.version = 14 : i64} {
  func.func @_bpmll_partials(%arg0: i32, %arg1: i32, %arg2: memref<1024x256xf32, #tpu.memory_space<hbm>>, %arg3: memref<1024x256xi32, #tpu.memory_space<hbm>>, %arg4: memref<32x16xf32, #tpu.memory_space<hbm>>, %arg5: memref<32x256xf32, #tpu.memory_space<vmem>>, %arg6: memref<32x256xi32, #tpu.memory_space<vmem>>, %arg7: memref<16xf32, #tpu.memory_space<vmem>>, %arg8: memref<!tpu.dma_semaphore, #tpu.memory_space<semaphore_mem>>, %arg9: memref<!tpu.dma_semaphore, #tpu.memory_space<semaphore_mem>>) attributes {dimension_semantics = [#tpu.dimension_semantics<core_parallel>, #tpu.dimension_semantics<subcore_parallel>], iteration_bounds = array<i64: 2, 16>, scalar_prefetch = 0 : i64, scratch_operands = 5 : i64, tpu.core_type = #tpu.core_type<sc_vector_subcore>, window_params = [{transform_indices = #map}, {transform_indices = #map}, {transform_indices = #map}]} {
    %mul3A = arith.constant 2 : i32
    %mul3A_0 = arith.muli %arg1, %mul3A : i32
    %add3A = arith.addi %mul3A_0, %arg0 : i32
    %mul3A_1 = arith.constant 32 : i32
    %mul3A_2 = arith.muli %add3A, %mul3A_1 : i32
    %dma_start3A = arith.constant 0 : i32
    %dma_start3A_3 = tpu.memref_slice %arg2[%mul3A_2, %dma_start3A] : memref<1024x256xf32, #tpu.memory_space<hbm>> -> memref<32x256xf32, #tpu.memory_space<hbm>>
    %dma_start3A_4 = arith.constant 0 : i32
    %dma_start3A_5 = tpu.memref_slice %arg2[%mul3A_2, %dma_start3A_4] : memref<1024x256xf32, #tpu.memory_space<hbm>> -> memref<32x256xf32, #tpu.memory_space<hbm>>
    tpu.enqueue_dma source(%dma_start3A_5 : memref<32x256xf32, #tpu.memory_space<hbm>>) target(%arg5 : memref<32x256xf32, #tpu.memory_space<vmem>>) target_semaphore(%arg8 : memref<!tpu.dma_semaphore, #tpu.memory_space<semaphore_mem>>)
    %dma_start3A_6 = arith.constant 0 : i32
    %dma_start3A_7 = tpu.memref_slice %arg3[%mul3A_2, %dma_start3A_6] : memref<1024x256xi32, #tpu.memory_space<hbm>> -> memref<32x256xi32, #tpu.memory_space<hbm>>
    %dma_start3A_8 = arith.constant 0 : i32
    %dma_start3A_9 = tpu.memref_slice %arg3[%mul3A_2, %dma_start3A_8] : memref<1024x256xi32, #tpu.memory_space<hbm>> -> memref<32x256xi32, #tpu.memory_space<hbm>>
    tpu.enqueue_dma source(%dma_start3A_9 : memref<32x256xi32, #tpu.memory_space<hbm>>) target(%arg6 : memref<32x256xi32, #tpu.memory_space<vmem>>) target_semaphore(%arg9 : memref<!tpu.dma_semaphore, #tpu.memory_space<semaphore_mem>>)
    %dma_wait3A = arith.constant 0 : i32
    %dma_wait3A_10 = tpu.memref_slice %arg2[%mul3A_2, %dma_wait3A] : memref<1024x256xf32, #tpu.memory_space<hbm>> -> memref<32x256xf32, #tpu.memory_space<hbm>>
    %dma_wait3A_11 = arith.constant 0 : i32
    %dma_wait3A_12 = tpu.memref_slice %arg2[%mul3A_2, %dma_wait3A_11] : memref<1024x256xf32, #tpu.memory_space<hbm>> -> memref<32x256xf32, #tpu.memory_space<hbm>>
    tpu.wait_dma2 semaphore(%arg8 : memref<!tpu.dma_semaphore, #tpu.memory_space<semaphore_mem>>) src(%dma_wait3A_12 : memref<32x256xf32, #tpu.memory_space<hbm>>) dst(%arg5 : memref<32x256xf32, #tpu.memory_space<vmem>>)
    %dma_wait3A_13 = arith.constant 0 : i32
    %dma_wait3A_14 = tpu.memref_slice %arg3[%mul3A_2, %dma_wait3A_13] : memref<1024x256xi32, #tpu.memory_space<hbm>> -> memref<32x256xi32, #tpu.memory_space<hbm>>
    %dma_wait3A_15 = arith.constant 0 : i32
    %dma_wait3A_16 = tpu.memref_slice %arg3[%mul3A_2, %dma_wait3A_15] : memref<1024x256xi32, #tpu.memory_space<hbm>> -> memref<32x256xi32, #tpu.memory_space<hbm>>
    tpu.wait_dma2 semaphore(%arg9 : memref<!tpu.dma_semaphore, #tpu.memory_space<semaphore_mem>>) src(%dma_wait3A_16 : memref<32x256xi32, #tpu.memory_space<hbm>>) dst(%arg6 : memref<32x256xi32, #tpu.memory_space<vmem>>)
    %broadcast_in_dim3A = arith.constant 0.000000e+00 : f32
    %broadcast_in_dim3A_17 = vector.broadcast %broadcast_in_dim3A : f32 to vector<16xf32>
    %broadcast_in_dim3A_18 = arith.constant 0 : i32
    %broadcast_in_dim3A_19 = vector.broadcast %broadcast_in_dim3A_18 : i32 to vector<16xi32>
    %iota3A = tpu.iota {dimensions = array<i32: 0>} : vector<16xi32>
    %xor3A = arith.constant 8 : i32
    %xor3A_20 = vector.broadcast %xor3A : i32 to vector<16xi32>
    %xor3A_21 = arith.xori %iota3A, %xor3A_20 : vector<16xi32>
    %xor3A_22 = arith.constant 4 : i32
    %xor3A_23 = vector.broadcast %xor3A_22 : i32 to vector<16xi32>
    %xor3A_24 = arith.xori %iota3A, %xor3A_23 : vector<16xi32>
    %xor3A_25 = arith.constant 2 : i32
    %xor3A_26 = vector.broadcast %xor3A_25 : i32 to vector<16xi32>
    %xor3A_27 = arith.xori %iota3A, %xor3A_26 : vector<16xi32>
    %xor3A_28 = arith.constant 1 : i32
    %xor3A_29 = vector.broadcast %xor3A_28 : i32 to vector<16xi32>
    %xor3A_30 = arith.xori %iota3A, %xor3A_29 : vector<16xi32>
    %broadcast_in_dim3A_31 = arith.constant 2.560000e+02 : f32
    %broadcast_in_dim3A_32 = vector.broadcast %broadcast_in_dim3A_31 : f32 to vector<16xf32>
    %scan3A = arith.constant 0 : i32
    %scan3A_33 = arith.constant 32 : i32
    %scan3A_34 = arith.addi %scan3A, %scan3A_33 : i32
    %scan3A_35 = arith.constant 1 : i32
    %scan3A_36 = scf.for %scan3A_42 = %scan3A to %scan3A_34 step %scan3A_35 iter_args(%scan3A_43 = %broadcast_in_dim3A_17) -> (vector<16xf32>)  : i32 {
      %get3A = arith.index_cast %scan3A_42 : i32 to index
      %get3A_44 = arith.constant 0 : index
      %get3A_45 = tpu.vector_load %arg5[%get3A, %get3A_44] {strides = array<i32>} : memref<32x256xf32, #tpu.memory_space<vmem>>, vector<16xf32>,
      %get3A_46 = arith.index_cast %scan3A_42 : i32 to index
      %get3A_47 = arith.constant 0 : index
      %get3A_48 = tpu.vector_load %arg6[%get3A_46, %get3A_47] {strides = array<i32>} : memref<32x256xi32, #tpu.memory_space<vmem>>, vector<16xi32>,
      %bitcast3A = vector.bitcast %get3A_45 : vector<16xf32> to vector<16xi32>
      %shift_left3A = arith.constant 31 : i32
      %shift_left3A_49 = vector.broadcast %shift_left3A : i32 to vector<16xi32>
      %shift_left3A_50 = arith.shli %get3A_48, %shift_left3A_49 : vector<16xi32>
      %xor3A_51 = arith.xori %bitcast3A, %shift_left3A_50 : vector<16xi32>
      %bitcast3A_52 = vector.bitcast %xor3A_51 : vector<16xi32> to vector<16xf32>
      %exp3A = math.exp %bitcast3A_52 : vector<16xf32>
      %add3A_53 = arith.addf %broadcast_in_dim3A_17, %exp3A : vector<16xf32>
      %eq3A = arith.constant 1 : i32
      %eq3A_54 = vector.broadcast %eq3A : i32 to vector<16xi32>
      %eq3A_55 = arith.cmpi eq, %get3A_48, %eq3A_54 : vector<16xi32>
      %select_n3A = arith.select %eq3A_55, %exp3A, %broadcast_in_dim3A_17 : vector<16xi1>, vector<16xf32>
      %add3A_56 = arith.addf %broadcast_in_dim3A_17, %select_n3A : vector<16xf32>
      %add3A_57 = arith.addi %broadcast_in_dim3A_19, %get3A_48 : vector<16xi32>
      %get3A_58 = arith.index_cast %scan3A_42 : i32 to index
      %get3A_59 = arith.constant 16 : index
      %get3A_60 = tpu.vector_load %arg5[%get3A_58, %get3A_59] {strides = array<i32>} : memref<32x256xf32, #tpu.memory_space<vmem>>, vector<16xf32>,
      %get3A_61 = arith.index_cast %scan3A_42 : i32 to index
      %get3A_62 = arith.constant 16 : index
      %get3A_63 = tpu.vector_load %arg6[%get3A_61, %get3A_62] {strides = array<i32>} : memref<32x256xi32, #tpu.memory_space<vmem>>, vector<16xi32>,
      %bitcast3A_64 = vector.bitcast %get3A_60 : vector<16xf32> to vector<16xi32>
      %shift_left3A_65 = arith.constant 31 : i32
      %shift_left3A_66 = vector.broadcast %shift_left3A_65 : i32 to vector<16xi32>
      %shift_left3A_67 = arith.shli %get3A_63, %shift_left3A_66 : vector<16xi32>
      %xor3A_68 = arith.xori %bitcast3A_64, %shift_left3A_67 : vector<16xi32>
      %bitcast3A_69 = vector.bitcast %xor3A_68 : vector<16xi32> to vector<16xf32>
      %exp3A_70 = math.exp %bitcast3A_69 : vector<16xf32>
      %add3A_71 = arith.addf %add3A_53, %exp3A_70 : vector<16xf32>
      %eq3A_72 = arith.constant 1 : i32
      %eq3A_73 = vector.broadcast %eq3A_72 : i32 to vector<16xi32>
      %eq3A_74 = arith.cmpi eq, %get3A_63, %eq3A_73 : vector<16xi32>
      %select_n3A_75 = arith.select %eq3A_74, %exp3A_70, %broadcast_in_dim3A_17 : vector<16xi1>, vector<16xf32>
      %add3A_76 = arith.addf %add3A_56, %select_n3A_75 : vector<16xf32>
      %add3A_77 = arith.addi %add3A_57, %get3A_63 : vector<16xi32>
      %get3A_78 = arith.index_cast %scan3A_42 : i32 to index
      %get3A_79 = arith.constant 32 : index
      %get3A_80 = tpu.vector_load %arg5[%get3A_78, %get3A_79] {strides = array<i32>} : memref<32x256xf32, #tpu.memory_space<vmem>>, vector<16xf32>,
      %get3A_81 = arith.index_cast %scan3A_42 : i32 to index
      %get3A_82 = arith.constant 32 : index
      %get3A_83 = tpu.vector_load %arg6[%get3A_81, %get3A_82] {strides = array<i32>} : memref<32x256xi32, #tpu.memory_space<vmem>>, vector<16xi32>,
      %bitcast3A_84 = vector.bitcast %get3A_80 : vector<16xf32> to vector<16xi32>
      %shift_left3A_85 = arith.constant 31 : i32
      %shift_left3A_86 = vector.broadcast %shift_left3A_85 : i32 to vector<16xi32>
      %shift_left3A_87 = arith.shli %get3A_83, %shift_left3A_86 : vector<16xi32>
      %xor3A_88 = arith.xori %bitcast3A_84, %shift_left3A_87 : vector<16xi32>
      %bitcast3A_89 = vector.bitcast %xor3A_88 : vector<16xi32> to vector<16xf32>
      %exp3A_90 = math.exp %bitcast3A_89 : vector<16xf32>
      %add3A_91 = arith.addf %add3A_71, %exp3A_90 : vector<16xf32>
      %eq3A_92 = arith.constant 1 : i32
      %eq3A_93 = vector.broadcast %eq3A_92 : i32 to vector<16xi32>
      %eq3A_94 = arith.cmpi eq, %get3A_83, %eq3A_93 : vector<16xi32>
      %select_n3A_95 = arith.select %eq3A_94, %exp3A_90, %broadcast_in_dim3A_17 : vector<16xi1>, vector<16xf32>
      %add3A_96 = arith.addf %add3A_76, %select_n3A_95 : vector<16xf32>
      %add3A_97 = arith.addi %add3A_77, %get3A_83 : vector<16xi32>
      %get3A_98 = arith.index_cast %scan3A_42 : i32 to index
      %get3A_99 = arith.constant 48 : index
      %get3A_100 = tpu.vector_load %arg5[%get3A_98, %get3A_99] {strides = array<i32>} : memref<32x256xf32, #tpu.memory_space<vmem>>, vector<16xf32>,
      %get3A_101 = arith.index_cast %scan3A_42 : i32 to index
      %get3A_102 = arith.constant 48 : index
      %get3A_103 = tpu.vector_load %arg6[%get3A_101, %get3A_102] {strides = array<i32>} : memref<32x256xi32, #tpu.memory_space<vmem>>, vector<16xi32>,
      %bitcast3A_104 = vector.bitcast %get3A_100 : vector<16xf32> to vector<16xi32>
      %shift_left3A_105 = arith.constant 31 : i32
      %shift_left3A_106 = vector.broadcast %shift_left3A_105 : i32 to vector<16xi32>
      %shift_left3A_107 = arith.shli %get3A_103, %shift_left3A_106 : vector<16xi32>
      %xor3A_108 = arith.xori %bitcast3A_104, %shift_left3A_107 : vector<16xi32>
      %bitcast3A_109 = vector.bitcast %xor3A_108 : vector<16xi32> to vector<16xf32>
      %exp3A_110 = math.exp %bitcast3A_109 : vector<16xf32>
      %add3A_111 = arith.addf %add3A_91, %exp3A_110 : vector<16xf32>
      %eq3A_112 = arith.constant 1 : i32
      %eq3A_113 = vector.broadcast %eq3A_112 : i32 to vector<16xi32>
      %eq3A_114 = arith.cmpi eq, %get3A_103, %eq3A_113 : vector<16xi32>
      %select_n3A_115 = arith.select %eq3A_114, %exp3A_110, %broadcast_in_dim3A_17 : vector<16xi1>, vector<16xf32>
      %add3A_116 = arith.addf %add3A_96, %select_n3A_115 : vector<16xf32>
      %add3A_117 = arith.addi %add3A_97, %get3A_103 : vector<16xi32>
      %get3A_118 = arith.index_cast %scan3A_42 : i32 to index
      %get3A_119 = arith.constant 64 : index
      %get3A_120 = tpu.vector_load %arg5[%get3A_118, %get3A_119] {strides = array<i32>} : memref<32x256xf32, #tpu.memory_space<vmem>>, vector<16xf32>,
      %get3A_121 = arith.index_cast %scan3A_42 : i32 to index
      %get3A_122 = arith.constant 64 : index
      %get3A_123 = tpu.vector_load %arg6[%get3A_121, %get3A_122] {strides = array<i32>} : memref<32x256xi32, #tpu.memory_space<vmem>>, vector<16xi32>,
      %bitcast3A_124 = vector.bitcast %get3A_120 : vector<16xf32> to vector<16xi32>
      %shift_left3A_125 = arith.constant 31 : i32
      %shift_left3A_126 = vector.broadcast %shift_left3A_125 : i32 to vector<16xi32>
      %shift_left3A_127 = arith.shli %get3A_123, %shift_left3A_126 : vector<16xi32>
      %xor3A_128 = arith.xori %bitcast3A_124, %shift_left3A_127 : vector<16xi32>
      %bitcast3A_129 = vector.bitcast %xor3A_128 : vector<16xi32> to vector<16xf32>
      %exp3A_130 = math.exp %bitcast3A_129 : vector<16xf32>
      %add3A_131 = arith.addf %add3A_111, %exp3A_130 : vector<16xf32>
      %eq3A_132 = arith.constant 1 : i32
      %eq3A_133 = vector.broadcast %eq3A_132 : i32 to vector<16xi32>
      %eq3A_134 = arith.cmpi eq, %get3A_123, %eq3A_133 : vector<16xi32>
      %select_n3A_135 = arith.select %eq3A_134, %exp3A_130, %broadcast_in_dim3A_17 : vector<16xi1>, vector<16xf32>
      %add3A_136 = arith.addf %add3A_116, %select_n3A_135 : vector<16xf32>
      %add3A_137 = arith.addi %add3A_117, %get3A_123 : vector<16xi32>
      %get3A_138 = arith.index_cast %scan3A_42 : i32 to index
      %get3A_139 = arith.constant 80 : index
      %get3A_140 = tpu.vector_load %arg5[%get3A_138, %get3A_139] {strides = array<i32>} : memref<32x256xf32, #tpu.memory_space<vmem>>, vector<16xf32>,
      %get3A_141 = arith.index_cast %scan3A_42 : i32 to index
      %get3A_142 = arith.constant 80 : index
      %get3A_143 = tpu.vector_load %arg6[%get3A_141, %get3A_142] {strides = array<i32>} : memref<32x256xi32, #tpu.memory_space<vmem>>, vector<16xi32>,
      %bitcast3A_144 = vector.bitcast %get3A_140 : vector<16xf32> to vector<16xi32>
      %shift_left3A_145 = arith.constant 31 : i32
      %shift_left3A_146 = vector.broadcast %shift_left3A_145 : i32 to vector<16xi32>
      %shift_left3A_147 = arith.shli %get3A_143, %shift_left3A_146 : vector<16xi32>
      %xor3A_148 = arith.xori %bitcast3A_144, %shift_left3A_147 : vector<16xi32>
      %bitcast3A_149 = vector.bitcast %xor3A_148 : vector<16xi32> to vector<16xf32>
      %exp3A_150 = math.exp %bitcast3A_149 : vector<16xf32>
      %add3A_151 = arith.addf %add3A_131, %exp3A_150 : vector<16xf32>
      %eq3A_152 = arith.constant 1 : i32
      %eq3A_153 = vector.broadcast %eq3A_152 : i32 to vector<16xi32>
      %eq3A_154 = arith.cmpi eq, %get3A_143, %eq3A_153 : vector<16xi32>
      %select_n3A_155 = arith.select %eq3A_154, %exp3A_150, %broadcast_in_dim3A_17 : vector<16xi1>, vector<16xf32>
      %add3A_156 = arith.addf %add3A_136, %select_n3A_155 : vector<16xf32>
      %add3A_157 = arith.addi %add3A_137, %get3A_143 : vector<16xi32>
      %get3A_158 = arith.index_cast %scan3A_42 : i32 to index
      %get3A_159 = arith.constant 96 : index
      %get3A_160 = tpu.vector_load %arg5[%get3A_158, %get3A_159] {strides = array<i32>} : memref<32x256xf32, #tpu.memory_space<vmem>>, vector<16xf32>,
      %get3A_161 = arith.index_cast %scan3A_42 : i32 to index
      %get3A_162 = arith.constant 96 : index
      %get3A_163 = tpu.vector_load %arg6[%get3A_161, %get3A_162] {strides = array<i32>} : memref<32x256xi32, #tpu.memory_space<vmem>>, vector<16xi32>,
      %bitcast3A_164 = vector.bitcast %get3A_160 : vector<16xf32> to vector<16xi32>
      %shift_left3A_165 = arith.constant 31 : i32
      %shift_left3A_166 = vector.broadcast %shift_left3A_165 : i32 to vector<16xi32>
      %shift_left3A_167 = arith.shli %get3A_163, %shift_left3A_166 : vector<16xi32>
      %xor3A_168 = arith.xori %bitcast3A_164, %shift_left3A_167 : vector<16xi32>
      %bitcast3A_169 = vector.bitcast %xor3A_168 : vector<16xi32> to vector<16xf32>
      %exp3A_170 = math.exp %bitcast3A_169 : vector<16xf32>
      %add3A_171 = arith.addf %add3A_151, %exp3A_170 : vector<16xf32>
      %eq3A_172 = arith.constant 1 : i32
      %eq3A_173 = vector.broadcast %eq3A_172 : i32 to vector<16xi32>
      %eq3A_174 = arith.cmpi eq, %get3A_163, %eq3A_173 : vector<16xi32>
      %select_n3A_175 = arith.select %eq3A_174, %exp3A_170, %broadcast_in_dim3A_17 : vector<16xi1>, vector<16xf32>
      %add3A_176 = arith.addf %add3A_156, %select_n3A_175 : vector<16xf32>
      %add3A_177 = arith.addi %add3A_157, %get3A_163 : vector<16xi32>
      %get3A_178 = arith.index_cast %scan3A_42 : i32 to index
      %get3A_179 = arith.constant 112 : index
      %get3A_180 = tpu.vector_load %arg5[%get3A_178, %get3A_179] {strides = array<i32>} : memref<32x256xf32, #tpu.memory_space<vmem>>, vector<16xf32>,
      %get3A_181 = arith.index_cast %scan3A_42 : i32 to index
      %get3A_182 = arith.constant 112 : index
      %get3A_183 = tpu.vector_load %arg6[%get3A_181, %get3A_182] {strides = array<i32>} : memref<32x256xi32, #tpu.memory_space<vmem>>, vector<16xi32>,
      %bitcast3A_184 = vector.bitcast %get3A_180 : vector<16xf32> to vector<16xi32>
      %shift_left3A_185 = arith.constant 31 : i32
      %shift_left3A_186 = vector.broadcast %shift_left3A_185 : i32 to vector<16xi32>
      %shift_left3A_187 = arith.shli %get3A_183, %shift_left3A_186 : vector<16xi32>
      %xor3A_188 = arith.xori %bitcast3A_184, %shift_left3A_187 : vector<16xi32>
      %bitcast3A_189 = vector.bitcast %xor3A_188 : vector<16xi32> to vector<16xf32>
      %exp3A_190 = math.exp %bitcast3A_189 : vector<16xf32>
      %add3A_191 = arith.addf %add3A_171, %exp3A_190 : vector<16xf32>
      %eq3A_192 = arith.constant 1 : i32
      %eq3A_193 = vector.broadcast %eq3A_192 : i32 to vector<16xi32>
      %eq3A_194 = arith.cmpi eq, %get3A_183, %eq3A_193 : vector<16xi32>
      %select_n3A_195 = arith.select %eq3A_194, %exp3A_190, %broadcast_in_dim3A_17 : vector<16xi1>, vector<16xf32>
      %add3A_196 = arith.addf %add3A_176, %select_n3A_195 : vector<16xf32>
      %add3A_197 = arith.addi %add3A_177, %get3A_183 : vector<16xi32>
      %get3A_198 = arith.index_cast %scan3A_42 : i32 to index
      %get3A_199 = arith.constant 128 : index
      %get3A_200 = tpu.vector_load %arg5[%get3A_198, %get3A_199] {strides = array<i32>} : memref<32x256xf32, #tpu.memory_space<vmem>>, vector<16xf32>,
      %get3A_201 = arith.index_cast %scan3A_42 : i32 to index
      %get3A_202 = arith.constant 128 : index
      %get3A_203 = tpu.vector_load %arg6[%get3A_201, %get3A_202] {strides = array<i32>} : memref<32x256xi32, #tpu.memory_space<vmem>>, vector<16xi32>,
      %bitcast3A_204 = vector.bitcast %get3A_200 : vector<16xf32> to vector<16xi32>
      %shift_left3A_205 = arith.constant 31 : i32
      %shift_left3A_206 = vector.broadcast %shift_left3A_205 : i32 to vector<16xi32>
      %shift_left3A_207 = arith.shli %get3A_203, %shift_left3A_206 : vector<16xi32>
      %xor3A_208 = arith.xori %bitcast3A_204, %shift_left3A_207 : vector<16xi32>
      %bitcast3A_209 = vector.bitcast %xor3A_208 : vector<16xi32> to vector<16xf32>
      %exp3A_210 = math.exp %bitcast3A_209 : vector<16xf32>
      %add3A_211 = arith.addf %add3A_191, %exp3A_210 : vector<16xf32>
      %eq3A_212 = arith.constant 1 : i32
      %eq3A_213 = vector.broadcast %eq3A_212 : i32 to vector<16xi32>
      %eq3A_214 = arith.cmpi eq, %get3A_203, %eq3A_213 : vector<16xi32>
      %select_n3A_215 = arith.select %eq3A_214, %exp3A_210, %broadcast_in_dim3A_17 : vector<16xi1>, vector<16xf32>
      %add3A_216 = arith.addf %add3A_196, %select_n3A_215 : vector<16xf32>
      %add3A_217 = arith.addi %add3A_197, %get3A_203 : vector<16xi32>
      %get3A_218 = arith.index_cast %scan3A_42 : i32 to index
      %get3A_219 = arith.constant 144 : index
      %get3A_220 = tpu.vector_load %arg5[%get3A_218, %get3A_219] {strides = array<i32>} : memref<32x256xf32, #tpu.memory_space<vmem>>, vector<16xf32>,
      %get3A_221 = arith.index_cast %scan3A_42 : i32 to index
      %get3A_222 = arith.constant 144 : index
      %get3A_223 = tpu.vector_load %arg6[%get3A_221, %get3A_222] {strides = array<i32>} : memref<32x256xi32, #tpu.memory_space<vmem>>, vector<16xi32>,
      %bitcast3A_224 = vector.bitcast %get3A_220 : vector<16xf32> to vector<16xi32>
      %shift_left3A_225 = arith.constant 31 : i32
      %shift_left3A_226 = vector.broadcast %shift_left3A_225 : i32 to vector<16xi32>
      %shift_left3A_227 = arith.shli %get3A_223, %shift_left3A_226 : vector<16xi32>
      %xor3A_228 = arith.xori %bitcast3A_224, %shift_left3A_227 : vector<16xi32>
      %bitcast3A_229 = vector.bitcast %xor3A_228 : vector<16xi32> to vector<16xf32>
      %exp3A_230 = math.exp %bitcast3A_229 : vector<16xf32>
      %add3A_231 = arith.addf %add3A_211, %exp3A_230 : vector<16xf32>
      %eq3A_232 = arith.constant 1 : i32
      %eq3A_233 = vector.broadcast %eq3A_232 : i32 to vector<16xi32>
      %eq3A_234 = arith.cmpi eq, %get3A_223, %eq3A_233 : vector<16xi32>
      %select_n3A_235 = arith.select %eq3A_234, %exp3A_230, %broadcast_in_dim3A_17 : vector<16xi1>, vector<16xf32>
      %add3A_236 = arith.addf %add3A_216, %select_n3A_235 : vector<16xf32>
      %add3A_237 = arith.addi %add3A_217, %get3A_223 : vector<16xi32>
      %get3A_238 = arith.index_cast %scan3A_42 : i32 to index
      %get3A_239 = arith.constant 160 : index
      %get3A_240 = tpu.vector_load %arg5[%get3A_238, %get3A_239] {strides = array<i32>} : memref<32x256xf32, #tpu.memory_space<vmem>>, vector<16xf32>,
      %get3A_241 = arith.index_cast %scan3A_42 : i32 to index
      %get3A_242 = arith.constant 160 : index
      %get3A_243 = tpu.vector_load %arg6[%get3A_241, %get3A_242] {strides = array<i32>} : memref<32x256xi32, #tpu.memory_space<vmem>>, vector<16xi32>,
      %bitcast3A_244 = vector.bitcast %get3A_240 : vector<16xf32> to vector<16xi32>
      %shift_left3A_245 = arith.constant 31 : i32
      %shift_left3A_246 = vector.broadcast %shift_left3A_245 : i32 to vector<16xi32>
      %shift_left3A_247 = arith.shli %get3A_243, %shift_left3A_246 : vector<16xi32>
      %xor3A_248 = arith.xori %bitcast3A_244, %shift_left3A_247 : vector<16xi32>
      %bitcast3A_249 = vector.bitcast %xor3A_248 : vector<16xi32> to vector<16xf32>
      %exp3A_250 = math.exp %bitcast3A_249 : vector<16xf32>
      %add3A_251 = arith.addf %add3A_231, %exp3A_250 : vector<16xf32>
      %eq3A_252 = arith.constant 1 : i32
      %eq3A_253 = vector.broadcast %eq3A_252 : i32 to vector<16xi32>
      %eq3A_254 = arith.cmpi eq, %get3A_243, %eq3A_253 : vector<16xi32>
      %select_n3A_255 = arith.select %eq3A_254, %exp3A_250, %broadcast_in_dim3A_17 : vector<16xi1>, vector<16xf32>
      %add3A_256 = arith.addf %add3A_236, %select_n3A_255 : vector<16xf32>
      %add3A_257 = arith.addi %add3A_237, %get3A_243 : vector<16xi32>
      %get3A_258 = arith.index_cast %scan3A_42 : i32 to index
      %get3A_259 = arith.constant 176 : index
      %get3A_260 = tpu.vector_load %arg5[%get3A_258, %get3A_259] {strides = array<i32>} : memref<32x256xf32, #tpu.memory_space<vmem>>, vector<16xf32>,
      %get3A_261 = arith.index_cast %scan3A_42 : i32 to index
      %get3A_262 = arith.constant 176 : index
      %get3A_263 = tpu.vector_load %arg6[%get3A_261, %get3A_262] {strides = array<i32>} : memref<32x256xi32, #tpu.memory_space<vmem>>, vector<16xi32>,
      %bitcast3A_264 = vector.bitcast %get3A_260 : vector<16xf32> to vector<16xi32>
      %shift_left3A_265 = arith.constant 31 : i32
      %shift_left3A_266 = vector.broadcast %shift_left3A_265 : i32 to vector<16xi32>
      %shift_left3A_267 = arith.shli %get3A_263, %shift_left3A_266 : vector<16xi32>
      %xor3A_268 = arith.xori %bitcast3A_264, %shift_left3A_267 : vector<16xi32>
      %bitcast3A_269 = vector.bitcast %xor3A_268 : vector<16xi32> to vector<16xf32>
      %exp3A_270 = math.exp %bitcast3A_269 : vector<16xf32>
      %add3A_271 = arith.addf %add3A_251, %exp3A_270 : vector<16xf32>
      %eq3A_272 = arith.constant 1 : i32
      %eq3A_273 = vector.broadcast %eq3A_272 : i32 to vector<16xi32>
      %eq3A_274 = arith.cmpi eq, %get3A_263, %eq3A_273 : vector<16xi32>
      %select_n3A_275 = arith.select %eq3A_274, %exp3A_270, %broadcast_in_dim3A_17 : vector<16xi1>, vector<16xf32>
      %add3A_276 = arith.addf %add3A_256, %select_n3A_275 : vector<16xf32>
      %add3A_277 = arith.addi %add3A_257, %get3A_263 : vector<16xi32>
      %get3A_278 = arith.index_cast %scan3A_42 : i32 to index
      %get3A_279 = arith.constant 192 : index
      %get3A_280 = tpu.vector_load %arg5[%get3A_278, %get3A_279] {strides = array<i32>} : memref<32x256xf32, #tpu.memory_space<vmem>>, vector<16xf32>,
      %get3A_281 = arith.index_cast %scan3A_42 : i32 to index
      %get3A_282 = arith.constant 192 : index
      %get3A_283 = tpu.vector_load %arg6[%get3A_281, %get3A_282] {strides = array<i32>} : memref<32x256xi32, #tpu.memory_space<vmem>>, vector<16xi32>,
      %bitcast3A_284 = vector.bitcast %get3A_280 : vector<16xf32> to vector<16xi32>
      %shift_left3A_285 = arith.constant 31 : i32
      %shift_left3A_286 = vector.broadcast %shift_left3A_285 : i32 to vector<16xi32>
      %shift_left3A_287 = arith.shli %get3A_283, %shift_left3A_286 : vector<16xi32>
      %xor3A_288 = arith.xori %bitcast3A_284, %shift_left3A_287 : vector<16xi32>
      %bitcast3A_289 = vector.bitcast %xor3A_288 : vector<16xi32> to vector<16xf32>
      %exp3A_290 = math.exp %bitcast3A_289 : vector<16xf32>
      %add3A_291 = arith.addf %add3A_271, %exp3A_290 : vector<16xf32>
      %eq3A_292 = arith.constant 1 : i32
      %eq3A_293 = vector.broadcast %eq3A_292 : i32 to vector<16xi32>
      %eq3A_294 = arith.cmpi eq, %get3A_283, %eq3A_293 : vector<16xi32>
      %select_n3A_295 = arith.select %eq3A_294, %exp3A_290, %broadcast_in_dim3A_17 : vector<16xi1>, vector<16xf32>
      %add3A_296 = arith.addf %add3A_276, %select_n3A_295 : vector<16xf32>
      %add3A_297 = arith.addi %add3A_277, %get3A_283 : vector<16xi32>
      %get3A_298 = arith.index_cast %scan3A_42 : i32 to index
      %get3A_299 = arith.constant 208 : index
      %get3A_300 = tpu.vector_load %arg5[%get3A_298, %get3A_299] {strides = array<i32>} : memref<32x256xf32, #tpu.memory_space<vmem>>, vector<16xf32>,
      %get3A_301 = arith.index_cast %scan3A_42 : i32 to index
      %get3A_302 = arith.constant 208 : index
      %get3A_303 = tpu.vector_load %arg6[%get3A_301, %get3A_302] {strides = array<i32>} : memref<32x256xi32, #tpu.memory_space<vmem>>, vector<16xi32>,
      %bitcast3A_304 = vector.bitcast %get3A_300 : vector<16xf32> to vector<16xi32>
      %shift_left3A_305 = arith.constant 31 : i32
      %shift_left3A_306 = vector.broadcast %shift_left3A_305 : i32 to vector<16xi32>
      %shift_left3A_307 = arith.shli %get3A_303, %shift_left3A_306 : vector<16xi32>
      %xor3A_308 = arith.xori %bitcast3A_304, %shift_left3A_307 : vector<16xi32>
      %bitcast3A_309 = vector.bitcast %xor3A_308 : vector<16xi32> to vector<16xf32>
      %exp3A_310 = math.exp %bitcast3A_309 : vector<16xf32>
      %add3A_311 = arith.addf %add3A_291, %exp3A_310 : vector<16xf32>
      %eq3A_312 = arith.constant 1 : i32
      %eq3A_313 = vector.broadcast %eq3A_312 : i32 to vector<16xi32>
      %eq3A_314 = arith.cmpi eq, %get3A_303, %eq3A_313 : vector<16xi32>
      %select_n3A_315 = arith.select %eq3A_314, %exp3A_310, %broadcast_in_dim3A_17 : vector<16xi1>, vector<16xf32>
      %add3A_316 = arith.addf %add3A_296, %select_n3A_315 : vector<16xf32>
      %add3A_317 = arith.addi %add3A_297, %get3A_303 : vector<16xi32>
      %get3A_318 = arith.index_cast %scan3A_42 : i32 to index
      %get3A_319 = arith.constant 224 : index
      %get3A_320 = tpu.vector_load %arg5[%get3A_318, %get3A_319] {strides = array<i32>} : memref<32x256xf32, #tpu.memory_space<vmem>>, vector<16xf32>,
      %get3A_321 = arith.index_cast %scan3A_42 : i32 to index
      %get3A_322 = arith.constant 224 : index
      %get3A_323 = tpu.vector_load %arg6[%get3A_321, %get3A_322] {strides = array<i32>} : memref<32x256xi32, #tpu.memory_space<vmem>>, vector<16xi32>,
      %bitcast3A_324 = vector.bitcast %get3A_320 : vector<16xf32> to vector<16xi32>
      %shift_left3A_325 = arith.constant 31 : i32
      %shift_left3A_326 = vector.broadcast %shift_left3A_325 : i32 to vector<16xi32>
      %shift_left3A_327 = arith.shli %get3A_323, %shift_left3A_326 : vector<16xi32>
      %xor3A_328 = arith.xori %bitcast3A_324, %shift_left3A_327 : vector<16xi32>
      %bitcast3A_329 = vector.bitcast %xor3A_328 : vector<16xi32> to vector<16xf32>
      %exp3A_330 = math.exp %bitcast3A_329 : vector<16xf32>
      %add3A_331 = arith.addf %add3A_311, %exp3A_330 : vector<16xf32>
      %eq3A_332 = arith.constant 1 : i32
      %eq3A_333 = vector.broadcast %eq3A_332 : i32 to vector<16xi32>
      %eq3A_334 = arith.cmpi eq, %get3A_323, %eq3A_333 : vector<16xi32>
      %select_n3A_335 = arith.select %eq3A_334, %exp3A_330, %broadcast_in_dim3A_17 : vector<16xi1>, vector<16xf32>
      %add3A_336 = arith.addf %add3A_316, %select_n3A_335 : vector<16xf32>
      %add3A_337 = arith.addi %add3A_317, %get3A_323 : vector<16xi32>
      %get3A_338 = arith.index_cast %scan3A_42 : i32 to index
      %get3A_339 = arith.constant 240 : index
      %get3A_340 = tpu.vector_load %arg5[%get3A_338, %get3A_339] {strides = array<i32>} : memref<32x256xf32, #tpu.memory_space<vmem>>, vector<16xf32>,
      %get3A_341 = arith.index_cast %scan3A_42 : i32 to index
      %get3A_342 = arith.constant 240 : index
      %get3A_343 = tpu.vector_load %arg6[%get3A_341, %get3A_342] {strides = array<i32>} : memref<32x256xi32, #tpu.memory_space<vmem>>, vector<16xi32>,
      %bitcast3A_344 = vector.bitcast %get3A_340 : vector<16xf32> to vector<16xi32>
      %shift_left3A_345 = arith.constant 31 : i32
      %shift_left3A_346 = vector.broadcast %shift_left3A_345 : i32 to vector<16xi32>
      %shift_left3A_347 = arith.shli %get3A_343, %shift_left3A_346 : vector<16xi32>
      %xor3A_348 = arith.xori %bitcast3A_344, %shift_left3A_347 : vector<16xi32>
      %bitcast3A_349 = vector.bitcast %xor3A_348 : vector<16xi32> to vector<16xf32>
      %exp3A_350 = math.exp %bitcast3A_349 : vector<16xf32>
      %add3A_351 = arith.addf %add3A_331, %exp3A_350 : vector<16xf32>
      %eq3A_352 = arith.constant 1 : i32
      %eq3A_353 = vector.broadcast %eq3A_352 : i32 to vector<16xi32>
      %eq3A_354 = arith.cmpi eq, %get3A_343, %eq3A_353 : vector<16xi32>
      %select_n3A_355 = arith.select %eq3A_354, %exp3A_350, %broadcast_in_dim3A_17 : vector<16xi1>, vector<16xf32>
      %add3A_356 = arith.addf %add3A_336, %select_n3A_355 : vector<16xf32>
      %add3A_357 = arith.addi %add3A_337, %get3A_343 : vector<16xi32>
      %convert_element_type3A = arith.sitofp %add3A_357 : vector<16xi32> to vector<16xf32>
      %lt3A = arith.constant 0 : i32
      %lt3A_358 = vector.broadcast %lt3A : i32 to vector<16xi32>
      %lt3A_359 = arith.cmpi slt, %xor3A_21, %lt3A_358 : vector<16xi32>
      %add3A_360 = arith.constant 16 : i32
      %add3A_361 = vector.broadcast %add3A_360 : i32 to vector<16xi32>
      %add3A_362 = arith.addi %xor3A_21, %add3A_361 : vector<16xi32>
      %select_n3A_363 = arith.select %lt3A_359, %add3A_362, %xor3A_21 : vector<16xi1>, vector<16xi32>
      %broadcast_in_dim3A_364 = vector.shape_cast %select_n3A_363 : vector<16xi32> to vector<16x1xi32>
      %gather3A = vector.shape_cast %broadcast_in_dim3A_364 : vector<16x1xi32> to vector<16xi32>
      %gather3A_365 = tpu.dynamic_gather %add3A_351[%gather3A] in [0] : vector<16xf32>, vector<16xi32> -> vector<16xf32>
      %add3A_366 = arith.addf %add3A_351, %gather3A_365 : vector<16xf32>
      %lt3A_367 = arith.constant 0 : i32
      %lt3A_368 = vector.broadcast %lt3A_367 : i32 to vector<16xi32>
      %lt3A_369 = arith.cmpi slt, %xor3A_21, %lt3A_368 : vector<16xi32>
      %add3A_370 = arith.constant 16 : i32
      %add3A_371 = vector.broadcast %add3A_370 : i32 to vector<16xi32>
      %add3A_372 = arith.addi %xor3A_21, %add3A_371 : vector<16xi32>
      %select_n3A_373 = arith.select %lt3A_369, %add3A_372, %xor3A_21 : vector<16xi1>, vector<16xi32>
      %broadcast_in_dim3A_374 = vector.shape_cast %select_n3A_373 : vector<16xi32> to vector<16x1xi32>
      %gather3A_375 = vector.shape_cast %broadcast_in_dim3A_374 : vector<16x1xi32> to vector<16xi32>
      %gather3A_376 = tpu.dynamic_gather %add3A_356[%gather3A_375] in [0] : vector<16xf32>, vector<16xi32> -> vector<16xf32>
      %add3A_377 = arith.addf %add3A_356, %gather3A_376 : vector<16xf32>
      %lt3A_378 = arith.constant 0 : i32
      %lt3A_379 = vector.broadcast %lt3A_378 : i32 to vector<16xi32>
      %lt3A_380 = arith.cmpi slt, %xor3A_21, %lt3A_379 : vector<16xi32>
      %add3A_381 = arith.constant 16 : i32
      %add3A_382 = vector.broadcast %add3A_381 : i32 to vector<16xi32>
      %add3A_383 = arith.addi %xor3A_21, %add3A_382 : vector<16xi32>
      %select_n3A_384 = arith.select %lt3A_380, %add3A_383, %xor3A_21 : vector<16xi1>, vector<16xi32>
      %broadcast_in_dim3A_385 = vector.shape_cast %select_n3A_384 : vector<16xi32> to vector<16x1xi32>
      %gather3A_386 = vector.shape_cast %broadcast_in_dim3A_385 : vector<16x1xi32> to vector<16xi32>
      %gather3A_387 = tpu.dynamic_gather %convert_element_type3A[%gather3A_386] in [0] : vector<16xf32>, vector<16xi32> -> vector<16xf32>
      %add3A_388 = arith.addf %convert_element_type3A, %gather3A_387 : vector<16xf32>
      %lt3A_389 = arith.constant 0 : i32
      %lt3A_390 = vector.broadcast %lt3A_389 : i32 to vector<16xi32>
      %lt3A_391 = arith.cmpi slt, %xor3A_24, %lt3A_390 : vector<16xi32>
      %add3A_392 = arith.constant 16 : i32
      %add3A_393 = vector.broadcast %add3A_392 : i32 to vector<16xi32>
      %add3A_394 = arith.addi %xor3A_24, %add3A_393 : vector<16xi32>
      %select_n3A_395 = arith.select %lt3A_391, %add3A_394, %xor3A_24 : vector<16xi1>, vector<16xi32>
      %broadcast_in_dim3A_396 = vector.shape_cast %select_n3A_395 : vector<16xi32> to vector<16x1xi32>
      %gather3A_397 = vector.shape_cast %broadcast_in_dim3A_396 : vector<16x1xi32> to vector<16xi32>
      %gather3A_398 = tpu.dynamic_gather %add3A_366[%gather3A_397] in [0] : vector<16xf32>, vector<16xi32> -> vector<16xf32>
      %add3A_399 = arith.addf %add3A_366, %gather3A_398 : vector<16xf32>
      %lt3A_400 = arith.constant 0 : i32
      %lt3A_401 = vector.broadcast %lt3A_400 : i32 to vector<16xi32>
      %lt3A_402 = arith.cmpi slt, %xor3A_24, %lt3A_401 : vector<16xi32>
      %add3A_403 = arith.constant 16 : i32
      %add3A_404 = vector.broadcast %add3A_403 : i32 to vector<16xi32>
      %add3A_405 = arith.addi %xor3A_24, %add3A_404 : vector<16xi32>
      %select_n3A_406 = arith.select %lt3A_402, %add3A_405, %xor3A_24 : vector<16xi1>, vector<16xi32>
      %broadcast_in_dim3A_407 = vector.shape_cast %select_n3A_406 : vector<16xi32> to vector<16x1xi32>
      %gather3A_408 = vector.shape_cast %broadcast_in_dim3A_407 : vector<16x1xi32> to vector<16xi32>
      %gather3A_409 = tpu.dynamic_gather %add3A_377[%gather3A_408] in [0] : vector<16xf32>, vector<16xi32> -> vector<16xf32>
      %add3A_410 = arith.addf %add3A_377, %gather3A_409 : vector<16xf32>
      %lt3A_411 = arith.constant 0 : i32
      %lt3A_412 = vector.broadcast %lt3A_411 : i32 to vector<16xi32>
      %lt3A_413 = arith.cmpi slt, %xor3A_24, %lt3A_412 : vector<16xi32>
      %add3A_414 = arith.constant 16 : i32
      %add3A_415 = vector.broadcast %add3A_414 : i32 to vector<16xi32>
      %add3A_416 = arith.addi %xor3A_24, %add3A_415 : vector<16xi32>
      %select_n3A_417 = arith.select %lt3A_413, %add3A_416, %xor3A_24 : vector<16xi1>, vector<16xi32>
      %broadcast_in_dim3A_418 = vector.shape_cast %select_n3A_417 : vector<16xi32> to vector<16x1xi32>
      %gather3A_419 = vector.shape_cast %broadcast_in_dim3A_418 : vector<16x1xi32> to vector<16xi32>
      %gather3A_420 = tpu.dynamic_gather %add3A_388[%gather3A_419] in [0] : vector<16xf32>, vector<16xi32> -> vector<16xf32>
      %add3A_421 = arith.addf %add3A_388, %gather3A_420 : vector<16xf32>
      %lt3A_422 = arith.constant 0 : i32
      %lt3A_423 = vector.broadcast %lt3A_422 : i32 to vector<16xi32>
      %lt3A_424 = arith.cmpi slt, %xor3A_27, %lt3A_423 : vector<16xi32>
      %add3A_425 = arith.constant 16 : i32
      %add3A_426 = vector.broadcast %add3A_425 : i32 to vector<16xi32>
      %add3A_427 = arith.addi %xor3A_27, %add3A_426 : vector<16xi32>
      %select_n3A_428 = arith.select %lt3A_424, %add3A_427, %xor3A_27 : vector<16xi1>, vector<16xi32>
      %broadcast_in_dim3A_429 = vector.shape_cast %select_n3A_428 : vector<16xi32> to vector<16x1xi32>
      %gather3A_430 = vector.shape_cast %broadcast_in_dim3A_429 : vector<16x1xi32> to vector<16xi32>
      %gather3A_431 = tpu.dynamic_gather %add3A_399[%gather3A_430] in [0] : vector<16xf32>, vector<16xi32> -> vector<16xf32>
      %add3A_432 = arith.addf %add3A_399, %gather3A_431 : vector<16xf32>
      %lt3A_433 = arith.constant 0 : i32
      %lt3A_434 = vector.broadcast %lt3A_433 : i32 to vector<16xi32>
      %lt3A_435 = arith.cmpi slt, %xor3A_27, %lt3A_434 : vector<16xi32>
      %add3A_436 = arith.constant 16 : i32
      %add3A_437 = vector.broadcast %add3A_436 : i32 to vector<16xi32>
      %add3A_438 = arith.addi %xor3A_27, %add3A_437 : vector<16xi32>
      %select_n3A_439 = arith.select %lt3A_435, %add3A_438, %xor3A_27 : vector<16xi1>, vector<16xi32>
      %broadcast_in_dim3A_440 = vector.shape_cast %select_n3A_439 : vector<16xi32> to vector<16x1xi32>
      %gather3A_441 = vector.shape_cast %broadcast_in_dim3A_440 : vector<16x1xi32> to vector<16xi32>
      %gather3A_442 = tpu.dynamic_gather %add3A_410[%gather3A_441] in [0] : vector<16xf32>, vector<16xi32> -> vector<16xf32>
      %add3A_443 = arith.addf %add3A_410, %gather3A_442 : vector<16xf32>
      %lt3A_444 = arith.constant 0 : i32
      %lt3A_445 = vector.broadcast %lt3A_444 : i32 to vector<16xi32>
      %lt3A_446 = arith.cmpi slt, %xor3A_27, %lt3A_445 : vector<16xi32>
      %add3A_447 = arith.constant 16 : i32
      %add3A_448 = vector.broadcast %add3A_447 : i32 to vector<16xi32>
      %add3A_449 = arith.addi %xor3A_27, %add3A_448 : vector<16xi32>
      %select_n3A_450 = arith.select %lt3A_446, %add3A_449, %xor3A_27 : vector<16xi1>, vector<16xi32>
      %broadcast_in_dim3A_451 = vector.shape_cast %select_n3A_450 : vector<16xi32> to vector<16x1xi32>
      %gather3A_452 = vector.shape_cast %broadcast_in_dim3A_451 : vector<16x1xi32> to vector<16xi32>
      %gather3A_453 = tpu.dynamic_gather %add3A_421[%gather3A_452] in [0] : vector<16xf32>, vector<16xi32> -> vector<16xf32>
      %add3A_454 = arith.addf %add3A_421, %gather3A_453 : vector<16xf32>
      %lt3A_455 = arith.constant 0 : i32
      %lt3A_456 = vector.broadcast %lt3A_455 : i32 to vector<16xi32>
      %lt3A_457 = arith.cmpi slt, %xor3A_30, %lt3A_456 : vector<16xi32>
      %add3A_458 = arith.constant 16 : i32
      %add3A_459 = vector.broadcast %add3A_458 : i32 to vector<16xi32>
      %add3A_460 = arith.addi %xor3A_30, %add3A_459 : vector<16xi32>
      %select_n3A_461 = arith.select %lt3A_457, %add3A_460, %xor3A_30 : vector<16xi1>, vector<16xi32>
      %broadcast_in_dim3A_462 = vector.shape_cast %select_n3A_461 : vector<16xi32> to vector<16x1xi32>
      %gather3A_463 = vector.shape_cast %broadcast_in_dim3A_462 : vector<16x1xi32> to vector<16xi32>
      %gather3A_464 = tpu.dynamic_gather %add3A_432[%gather3A_463] in [0] : vector<16xf32>, vector<16xi32> -> vector<16xf32>
      %add3A_465 = arith.addf %add3A_432, %gather3A_464 : vector<16xf32>
      %lt3A_466 = arith.constant 0 : i32
      %lt3A_467 = vector.broadcast %lt3A_466 : i32 to vector<16xi32>
      %lt3A_468 = arith.cmpi slt, %xor3A_30, %lt3A_467 : vector<16xi32>
      %add3A_469 = arith.constant 16 : i32
      %add3A_470 = vector.broadcast %add3A_469 : i32 to vector<16xi32>
      %add3A_471 = arith.addi %xor3A_30, %add3A_470 : vector<16xi32>
      %select_n3A_472 = arith.select %lt3A_468, %add3A_471, %xor3A_30 : vector<16xi1>, vector<16xi32>
      %broadcast_in_dim3A_473 = vector.shape_cast %select_n3A_472 : vector<16xi32> to vector<16x1xi32>
      %gather3A_474 = vector.shape_cast %broadcast_in_dim3A_473 : vector<16x1xi32> to vector<16xi32>
      %gather3A_475 = tpu.dynamic_gather %add3A_443[%gather3A_474] in [0] : vector<16xf32>, vector<16xi32> -> vector<16xf32>
      %add3A_476 = arith.addf %add3A_443, %gather3A_475 : vector<16xf32>
      %lt3A_477 = arith.constant 0 : i32
      %lt3A_478 = vector.broadcast %lt3A_477 : i32 to vector<16xi32>
      %lt3A_479 = arith.cmpi slt, %xor3A_30, %lt3A_478 : vector<16xi32>
      %add3A_480 = arith.constant 16 : i32
      %add3A_481 = vector.broadcast %add3A_480 : i32 to vector<16xi32>
      %add3A_482 = arith.addi %xor3A_30, %add3A_481 : vector<16xi32>
      %select_n3A_483 = arith.select %lt3A_479, %add3A_482, %xor3A_30 : vector<16xi1>, vector<16xi32>
      %broadcast_in_dim3A_484 = vector.shape_cast %select_n3A_483 : vector<16xi32> to vector<16x1xi32>
      %gather3A_485 = vector.shape_cast %broadcast_in_dim3A_484 : vector<16x1xi32> to vector<16xi32>
      %gather3A_486 = tpu.dynamic_gather %add3A_454[%gather3A_485] in [0] : vector<16xf32>, vector<16xi32> -> vector<16xf32>
      %add3A_487 = arith.addf %add3A_454, %gather3A_486 : vector<16xf32>
      %sub3A = arith.subf %add3A_465, %add3A_476 : vector<16xf32>
      %mul3A_488 = arith.mulf %sub3A, %add3A_476 : vector<16xf32>
      %sub3A_489 = arith.subf %broadcast_in_dim3A_32, %add3A_487 : vector<16xf32>
      %mul3A_490 = arith.mulf %add3A_487, %sub3A_489 : vector<16xf32>
      %div3A = arith.divf %mul3A_488, %mul3A_490 : vector<16xf32>
      %add3A_491 = arith.addf %scan3A_43, %div3A : vector<16xf32>
      scf.yield %add3A_491 : vector<16xf32>
    }
    %scan3A_37 = arith.constant 32 : i32
    %mul3A_38 = arith.constant 6.10351563E-5 : f32
    %mul3A_39 = vector.broadcast %mul3A_38 : f32 to vector<16xf32>
    %mul3A_40 = arith.mulf %scan3A_36, %mul3A_39 : vector<16xf32>
    %swap3A = arith.constant 0 : index
    %swap3A_41 = tpu.vector_load %arg7[%swap3A] {strides = array<i32>} : memref<16xf32, #tpu.memory_space<vmem>>, vector<16xf32>,
    tpu.vector_store %arg7[%swap3A], %mul3A_40 {strides = array<i32>} : memref<16xf32, #tpu.memory_space<vmem>>, vector<16xf32>,
    "tpu.region"() ({
      %run_scoped3A = tpu.sem_alloc : memref<!tpu.dma_semaphore, #tpu.memory_space<semaphore_mem>>
      %dma_start3A_42 = arith.constant 0 : i32
      %dma_start3A_43 = tpu.memref_slice %arg4[%add3A, %dma_start3A_42] : memref<32x16xf32, #tpu.memory_space<hbm>> -> memref<1x16xf32, #tpu.memory_space<hbm>>
      %dma_start3A_44 = tpu.memref_squeeze %dma_start3A_43 : memref<1x16xf32, #tpu.memory_space<hbm>> -> memref<16xf32, #tpu.memory_space<hbm>>
      %dma_start3A_45 = arith.constant 0 : i32
      %dma_start3A_46 = tpu.memref_slice %arg4[%add3A, %dma_start3A_45] : memref<32x16xf32, #tpu.memory_space<hbm>> -> memref<1x16xf32, #tpu.memory_space<hbm>>
      %dma_start3A_47 = tpu.memref_squeeze %dma_start3A_46 : memref<1x16xf32, #tpu.memory_space<hbm>> -> memref<16xf32, #tpu.memory_space<hbm>>
      tpu.enqueue_dma source(%arg7 : memref<16xf32, #tpu.memory_space<vmem>>) target(%dma_start3A_47 : memref<16xf32, #tpu.memory_space<hbm>>) target_semaphore(%run_scoped3A : memref<!tpu.dma_semaphore, #tpu.memory_space<semaphore_mem>>)
      %dma_wait3A_48 = arith.constant 0 : i32
      %dma_wait3A_49 = tpu.memref_slice %arg4[%add3A, %dma_wait3A_48] : memref<32x16xf32, #tpu.memory_space<hbm>> -> memref<1x16xf32, #tpu.memory_space<hbm>>
      %dma_wait3A_50 = tpu.memref_squeeze %dma_wait3A_49 : memref<1x16xf32, #tpu.memory_space<hbm>> -> memref<16xf32, #tpu.memory_space<hbm>>
      %dma_wait3A_51 = arith.constant 0 : i32
      %dma_wait3A_52 = tpu.memref_slice %arg4[%add3A, %dma_wait3A_51] : memref<32x16xf32, #tpu.memory_space<hbm>> -> memref<1x16xf32, #tpu.memory_space<hbm>>
      %dma_wait3A_53 = tpu.memref_squeeze %dma_wait3A_52 : memref<1x16xf32, #tpu.memory_space<hbm>> -> memref<16xf32, #tpu.memory_space<hbm>>
      tpu.wait_dma2 semaphore(%run_scoped3A : memref<!tpu.dma_semaphore, #tpu.memory_space<semaphore_mem>>) src(%arg7 : memref<16xf32, #tpu.memory_space<vmem>>) dst(%dma_wait3A_53 : memref<16xf32, #tpu.memory_space<hbm>>)
      tpu.yield
    }) : () -> ()
    return
  }
}

</mosaic_0001>

<sc_bundles>
// kernel: kernel.3.cloned.1.call-start
scs
__scs_entry_jumppad:
0x0: {  	(pc) =	sbr.rel $0x88, $3  }
0x1: {  	(tag) =	ssettag $0x0;
	lr =	simm.s32 $0x1  }
0x2: {  	[smem:$0x3F9F] =	sst lr;
	_ =	strace $0xD0000000  }
0x3: {  	_ = 	snop  }
0x4: {  	_ = 	snop  }
0x5: {  	_ = 	snop  }
0x6: {  	_ = 	snop  }
0x7: {  	_ = 	snop  }
__scs_overlays_trampoline_lowered:
0x8: {  	[smem:$0x3FAE] =	sst s0  }
0x9: {  	[smem:$0x3FAF] =	sst s1  }
0xa: {  	[smem:$0x3FB0] =	sst s2  }
0xb: {  	[smem:$0x3FB1] =	sst s3  }
0xc: {  	[smem:$0x3FB2] =	sst s4  }
0xd: {  	[smem:$0x3FB3] =	sst s5  }
0xe: {  	[smem:$0x3FB4] =	sst s6  }
0xf: {  	[smem:$0x3FB5] =	sst s7  }
0x10: {  	[smem:$0x3FB6] =	sst s8  }
0x11: {  	[smem:$0x3FB7] =	sst s9;
	s0 =	simm.s32 @!p0 $0x0  }
0x12: {  	s1 =	sld [smem:$0x3F9D];
	s0 =	simm.s32 @p0 $0x1  }
0x13: {  	[smem:$0x3FB8] =	sst s0;
	s0 =	simm.s32 @!p1 $0x0  }
0x14: {  	s2 =	sld [smem:$0x3F9C];
	s0 =	simm.s32 @p1 $0x1  }
0x15: {  	[smem:$0x3FB9] =	sst s0;
	s0 =	simm.s32 @!p2 $0x0  }
0x16: {  	s3 =	sld [smem:$0x3FDB];
	s0 =	simm.s32 @p2 $0x1  }
0x17: {  	s4 =	simm.s32 $0x1BF5;
	[smem:$0x3FBB] =	sst s0  }
0x18: {  	s0 =	sld [smem:$0x3F9E];
	_ =	swait.ge [sflag:s4], $0x0  }
0x19: {  	s7 =	sld [smem:$0x3F9F]  }
0x1a: {  	s8 =	sadd.s32 $0xFFFFE003, lr  }
0x1b: {  	s9 =	sadd.s32 $0xFFFFFEF7, lr;
	s5 =	simm.s32 $0xFFFFFFFF;
	p2 =	slt.u32 s8, $0xFFFFF086  }
0x1c: {  	p1 =	slt.u32 s9, $0xF7A;
	s5 =	simm.s32 @!p2 $0x0  }
0x1d: {  	s5 =	simm.s32 @p1 $0x1;
	p0 =	seq.s32 s7, s2  }
0x1e: {  	s7 =	smul.u32 @!p0 $0xF7A, s2;
	p2 =	seq.s32 @!p0 s5, $0x0  }
0x1f: {  	s9 =	smul.u32 $0xF7A, s1;
	s8 =	simm.s32 @!p0 $0x1BF5;
	p2 =	por !p2, p0  }
0x20: {  	[sflag:s8] =	ssyncset.s32 @!p0 $0xFFFFF086;
	s6 =	sadd.s32 @!p0 s3, s7;
	s7 =	simm.s32 @!p0 $0x108  }
0x21: {  	s3 =	sadd.s32 s3, s9;
	s6 =	sadd.s32 @!p0 $0x88, s6;
	s7 =	simm.s32 @p2 $0x1082  }
0x22: {  	[simem:s7], [sflag:s8] =	dma.local @!p0 [hbm:s6], $0xF7A  }
0x23: {  	s9 =	sor.u32 $0xD0000000, s2;
	s6 =	simm.s32 $0x108;
	_ =	swait.ge @!p0 [sflag:s8], $0x0  }
0x24: {  	s3 =	sadd.s32 $0x88, s3;
	s6 =	simm.s32 @!p1 $0x1082;
	[sflag:s4] =	ssyncset.s32 $0xFFFFF086  }
0x25: {  	[simem:s6], [sflag:s4] =	dma.local [hbm:s3], $0xF7A  }
0x26: {  	[smem:$0x3F9F] =	sst s1;
	(tag) =	ssettag s2;
	_ =	strace s9  }
0x27: {  	s1 =	sld [smem:$0x3FAF]  }
0x28: {  	s2 =	sld [smem:$0x3FB0]  }
0x29: {  	s4 =	sld [smem:$0x3FB2]  }
0x2a: {  	p0 =	seq.s32 s5, $0x0;
	s5 =	sld [smem:$0x3FB3]  }
0x2b: {  	s6 =	sld [smem:$0x3FB4]  }
0x2c: {  	s7 =	sld [smem:$0x3FB5]  }
0x2d: {  	s3 =	simm.s32 $0x108;
	s8 =	sld [smem:$0x3FB6]  }
0x2e: {  	s3 =	simm.s32 @!p0 $0x1082;
	s9 =	sld [smem:$0x3FB7]  }
0x2f: {  	lr =	sadd.s32 s0, s3;
	s0 =	sld [smem:$0x3FAE]  }
0x30: {  	s3 =	sld [smem:$0x3FB1]  }
0x31: {  	[smem:$0x3FBA] =	sst s10  }
0x32: {  	s10 =	sld [smem:$0x3FB8];
	_ =	sdelay $0x3  }
0x33: {  	p0 =	seq.s32 s10, $0x1;
	s10 =	sld [smem:$0x3FBA];
	_ =	sdelay $0x3  }
0x34: {  	[smem:$0x3FBA] =	sst s10  }
0x35: {  	s10 =	sld [smem:$0x3FB9];
	_ =	sdelay $0x3  }
0x36: {  	p1 =	seq.s32 s10, $0x1;
	s10 =	sld [smem:$0x3FBA];
	_ =	sdelay $0x3  }
0x37: {  	[smem:$0x3FBA] =	sst s10  }
0x38: {  	s10 =	sld [smem:$0x3FBB]  }
0x39: {  	_ = 	snop;
	(pc) =	sbr.ind lr, $3  }
0x3a: {  	_ = 	snop  }
0x3b: {  	_ = 	snop  }
0x3c: {  	p2 =	seq.s32 s10, $0x1;
	s10 =	sld [smem:$0x3FBA]  }
0x3d: {  	_ =	shalt  }
0x3e: {  	_ =	shalt  }
0x3f: {  	_ =	shalt  }
0x40: {  	_ =	shalt  }
0x41: {  	_ =	shalt  }
0x42: {  	_ =	shalt  }
0x43: {  	_ =	shalt  }
0x44: {  	_ =	shalt  }
0x45: {  	_ =	shalt  }
0x46: {  	_ =	shalt  }
0x47: {  	_ =	shalt  }
0x48: {  	_ =	shalt  }
0x49: {  	_ =	shalt  }
0x4a: {  	_ =	shalt  }
0x4b: {  	_ =	shalt  }
0x4c: {  	_ =	shalt  }
0x4d: {  	_ =	shalt  }
0x4e: {  	_ =	shalt  }
0x4f: {  	_ =	shalt  }
0x50: {  	_ =	shalt  }
0x51: {  	_ =	shalt  }
0x52: {  	_ =	shalt  }
0x53: {  	_ =	shalt  }
0x54: {  	_ =	shalt  }
0x55: {  	_ =	shalt  }
0x56: {  	_ =	shalt  }
0x57: {  	_ =	shalt  }
0x58: {  	_ =	shalt  }
0x59: {  	_ =	shalt  }
0x5a: {  	_ =	shalt  }
0x5b: {  	_ =	shalt  }
0x5c: {  	_ =	shalt  }
0x5d: {  	_ =	shalt  }
0x5e: {  	_ =	shalt  }
0x5f: {  	_ =	shalt  }
0x60: {  	_ =	shalt  }
0x61: {  	_ =	shalt  }
0x62: {  	_ =	shalt  }
0x63: {  	_ =	shalt  }
0x64: {  	_ =	shalt  }
0x65: {  	_ =	shalt  }
0x66: {  	_ =	shalt  }
0x67: {  	_ =	shalt  }
0x68: {  	_ =	shalt  }
0x69: {  	_ =	shalt  }
0x6a: {  	_ =	shalt  }
0x6b: {  	_ =	shalt  }
0x6c: {  	_ =	shalt  }
0x6d: {  	_ =	shalt  }
0x6e: {  	_ =	shalt  }
0x6f: {  	_ =	shalt  }
0x70: {  	_ =	shalt  }
0x71: {  	_ =	shalt  }
0x72: {  	_ =	shalt  }
0x73: {  	_ =	shalt  }
0x74: {  	_ =	shalt  }
0x75: {  	_ =	shalt  }
0x76: {  	_ =	shalt  }
0x77: {  	_ =	shalt  }
0x78: {  	_ =	shalt  }
0x79: {  	_ =	shalt  }
0x7a: {  	_ =	shalt  }
0x7b: {  	_ =	shalt  }
0x7c: {  	_ =	shalt  }
0x7d: {  	_ =	shalt  }
0x7e: {  	_ =	shalt  }
0x7f: {  	_ =	shalt  }
0x80: {  	_ =	shalt  }
0x81: {  	_ =	shalt  }
0x82: {  	_ =	shalt  }
0x83: {  	_ =	shalt  }
0x84: {  	_ =	shalt  }
0x85: {  	_ =	shalt  }
0x86: {  	_ =	shalt  }
0x87: {  	_ =	shalt  }
.Lfunc_end0:
.L_simem_size_0:
called_computation_lowered:
.L_overlay_start_0:
0x88: {  	s2 =	sld [smem:$0x3FD9]  }
0x89: {  	s3 =	sld [smem:$0x3FFE];
	_ =	sdelay $0x1  }
0x8a: {  	s1 =	srdreg.scid  }
0x8b: {  	s0 =	sand.u32 $0x1, s1  }
0x8c: {  	s17 =	sshll.u32 s0, $0xA;
	s2 =	sadd.s32 s3, s2  }
0x8d: {  	s2 =	sadd.s32 s2, s17  }
0x8e: {  	[smem:$0x3FC6] =	sst s2  }
0x8f: {  	_ = 	snop  }
0x90: {  	s2 =	sld [smem:$0x3FC9]  }
0x91: {  	s18 =	sld [smem:$0x3FC8];
	(tm) =	ssettm $0x1  }
0x92: {  	s4 =	sld [smem:$0x3FFB];
	_ =	sdelay $0x3  }
0x93: {  	_ =	strace s4  }
0x94: {  	s4 =	sld [smem:$0x3FFC];
	_ =	sdelay $0x3  }
0x95: {  	_ =	strace s4  }
0x96: {  	s4 =	sld [smem:$0x3FFD];
	_ =	sdelay $0x3  }
0x97: {  	_ =	strace s4  }
0x98: {  	_ =	strace $0x8FFFFFFF  }
0x99: {  	s19 =	sld [smem:$0x3FDB];
	_ =	sdelay $0x1  }
0x9a: {  	s5 =	simm.s32 $_scs_section_size  }
0x9b: {  	s6 =	simm.s32 $_size__tile_overlayer_lowered;
	s7 =	simm.s32 $_tile_overlayer_lowered  }
0x9c: {  	s22 =	simm.s32 $0x1BFF;
	s21 =	sshll.u32 s7, $0x1;
	s4 =	sadd.s32 s5, s19  }
0x9d: {  	s8 =	simm.s32 $0x0;
	s20 =	sshll.u32 s6, $0x1;
	s6 =	sadd.s32 s21, s4  }
0x9e: {  	[timem:s8], [sflag:s22] =	dma.local [hbm:s6], s20  }
0x9f: {  	_ =	swait.ge [sflag:s22], s20  }
0xa0: {  	s5 =	ssub.s32 $0x0, s20;
	[sflag:s22] =	ssyncset.done $0x0  }
0xa1: {  	[sflag:s22] =	ssyncadd.s32 s5;
	_ =	sdelay $0x1  }
0xa2: {  	s23 =	simm.s32 $0x1B8B  }
0xa3: {  	_ =	swait.ge [sflag:s23], $0x1  }
0xa4: {  	[sflag:s23] =	ssyncset.done $0x0  }
0xa5: {  	s25 =	simm.s32 $0x1B8E;
	s24 =	sld [smem:$0x3FFE];
	[sflag:s23] =	ssyncadd.s32 $0xFFFFFFFF  }
0xa6: {  	s26 =	simm.s32 $execute0_lowered;
	[smem:$0x3FD2] =	sst s25  }
0xa7: {  	s6 =	sshll.u32 s26, $0x1;
	_ =	strace $0x80000046;
	[dreg:$0x1] =	wrdreg $0xFFFFFFFF  }
0xa8: {  	s28 =	simm.s32 $_size_execute0_lowered;
	s4 =	sadd.s32 s4, s6;
	[dreg:$0x0] =	wrdreg $0x0  }
0xa9: {  	s6 =	sshll.u32 s28, $0x1;
	[dreg:$0x2] =	wrdreg s4  }
0xaa: {  	[dreg:$0x3] =	wrdreg s6  }
0xab: {  	[dreg:$0x4] =	wrdreg $0xC0  }
0xac: {  	_ =	task [dreg:s8], $0x5FFFF  }
0xad: {  	[dreg:$0x1] =	wrdreg $0xFFFFFFFF  }
0xae: {  	[dreg:$0x0] =	wrdreg $0x60  }
0xaf: {  	[dreg:$0x2] =	wrdreg s2  }
0xb0: {  	[dreg:$0x3] =	wrdreg s18  }
0xb1: {  	[dreg:$0x4] =	wrdreg s24  }
0xb2: {  	[dreg:$0x5] =	wrdreg $0x9  }
0xb3: {  	_ =	task.clear_ibuf [dreg:s8], $0x6FFFF;
	_ =	strace $0x90000046  }
0xb4: {  	s29 =	simm.s32 $0x9;
	_ =	strace $0x80000048  }
0xb5: {  	_ =	swait.ge [sflag:s29], $0x1  }
0xb6: {  	[sflag:s29] =	ssyncadd.s32 $0xFFFFFFFF  }
0xb7: {  	_ =	strace $0x90000048  }
0xb8: {  	_ =	sfence  }
0xb9: {  	s30 =	sld [smem:$0x0];
	_ =	sdelay $0x2  }
0xba: {  	s31 =	sshll.u32 s1, $0xD;
	s1 =	sshrl.u32 s1, $0x2  }
0xbb: {  	s3 =	sand.u32 $0x4000, s31;
	s1 =	sadd.s32 s1, s30  }
0xbc: {  	s0 =	sor.u32 s3, s0;
	s1 =	sshll.u32 s1, $0x11  }
0xbd: {  	s0 =	sor.u32 s1, s0  }
0xbe: {  	s0 =	sadd.s32 $0x8F2B, s0  }
0xbf: {  	[sflag:s0] =	ssyncadd.remote.s32 $0x1  }
0xc0: {  	_ =	sfence.sel $0xFFFF  }
0xc1: {  	[dreg:$0x0] =	wrdreg $0xFFFFFFFF;
	(pc) =	sbr.abs _section_cstart, $3  }
0xc2: {  	[dreg:$0x1] =	wrdreg $0xFFFFFFFF  }
0xc3: {  	_ =	task.clear_ibuf [dreg:s8], $0x2FFFF;
	_ =	strace $0x9FFFFFFF  }
0xc4: {  	(tm) =	ssettm $0x7FFFFFFF  }
0xc5: {  	_ =	shalt  }
tec
execute0_lowered:
.L_overlay_start_1:
0x0: {  	(tag) =	ssettag $0x1  }
0x1: {  	v0 =	vimm.s32 $0xFEDCBA98;
	s3 =	rddreg [dreg:$0x0];
	v1 =	vimm.s32 $0x76543210  }
0x2: {  	s4 =	rddreg [dreg:$0x1];
	v2 =	vimm.s32 $0xBA98FEDC;
	v3 =	vimm.s32 $0x32107654;
	v4 =	vimm.s32 $0xDCFE98BA  }
0x3: {  	s5 =	rddreg [dreg:$0x2];
	v5 =	vimm.s32 $0x54761032;
	v6 =	vimm.s32 $0xEFCDAB89;
	v7 =	vimm.s32 $0x67452301  }
0x4: {  	s0 =	rddreg [dreg:$0x3];
	v0 =	vunpack.c.l.s4.s8 v0;
	v1 =	vunpack.c.l.s4.s8 v1;
	v2 =	vunpack.c.l.s4.s8 v2  }
0x5: {  	s6 =	srdreg.scid;
	s1 =	stileid.u32;
	v3 =	vunpack.c.l.s4.s8 v3;
	v4 =	vunpack.c.l.s4.s8 v4;
	v5 =	vunpack.c.l.s4.s8 v5  }
0x6: {  	s2 =	simm.s32 $0x0;
	s10 =	simm.s32 $0x4000;
	s11 =	simm.s32 $0x3;
	v6 =	vunpack.c.l.s4.s8 v6;
	v7 =	vunpack.c.l.s4.s8 v7;
	v0 =	vunpack.c.0.s8.s32 v0  }
0x7: {  	s12 =	simm.s32 $0x0;
	s6 =	sand.u32 $0x1, s6;
	s7 =	sshll.u32 s1, $0x1;
	v2 =	vunpack.c.0.s8.s32 v2;
	v3 =	vunpack.c.0.s8.s32 v3;
	v4 =	vunpack.c.0.s8.s32 v4  }
0x8: {  	[smem:$0x7FF] =	sst s2;
	s8 =	ssub.s32 $0x2, s6;
	s6 =	sor.u32 s6, s7;
	v5 =	vunpack.c.0.s8.s32 v5;
	v6 =	vunpack.c.0.s8.s32 v6;
	v7 =	vunpack.c.0.s8.s32 v7  }
0x9: {  	_ =	strace $0x80000047;
	s31 =	sshrl.u32 s8, $0x1;
	s9 =	sshll.u32 s6, $0xA;
	v1 =	vunpack.c.0.s8.s32 v1;
	v2 =	vcombine.low v3, v2  }
0xa: {  	s6 =	sshll.u32 s6, $0x4;
	s7 =	ssub.s32 s8, s31;
	s3 =	sadd.s32 s3, s9;
	v3 =	vcombine.low v5, v4;
	v4 =	vcombine.low v7, v6;
	v0 =	vand.u32 $0xF, v0  }
0xb: {  	s4 =	sadd.s32 s4, s9;
	s5 =	sadd.s32 s5, s6;
	s8 =	simm.s32 $0x1;
	v0 =	vcombine.low v0, v1  }
0xc: {  	s9 =	simm.s32 $0x2;
	s6 =	smax.u32 s7, $0x1;
	s7 =	simm.s32 $0x2000;
	v1 =	vand.u32 $0xF, v2;
	v2 =	vand.u32 $0xF, v3;
	v3 =	vand.u32 $0xF, v4  }
.LBB2_1:
0xd: {  	[tilespmem:s2], [sflag:$0x1] =	stream.linear.gather [hbm4b:s3+s2], $0x2000, $0x38;
	[tilespmem:$0x4080] =	vst v63  }
0xe: {  	_ = 	snop  }
0xf: {  	[tilespmem:s7], [sflag:$0x2] =	stream.linear.gather [hbm4b:s4+s2], $0x2000, $0x38;
	[tilespmem:$0x4080] =	vst v63  }
0x10: {  	_ =	swait.ge [sflag:s8], $0x2000  }
0x11: {  	[sflag:s8] =	ssyncset.done $0x0  }
0x12: {  	[sflag:s8] =	ssyncadd.s32 $0xFFFFE000  }
0x13: {  	_ =	swait.ge [sflag:s9], $0x2000  }
0x14: {  	s13 =	sand.u32 $0x1800, s2;
	s14 =	sand.u32 $0x380, s2;
	[sflag:s9] =	ssyncset.done $0x0  }
0x15: {  	s13 =	sor.u32 s14, s13;
	[sflag:s9] =	ssyncadd.s32 $0xFFFFE000  }
0x16: {  	v8 =	vld [tilespmem:s13+$0x2470]  }
0x17: {  	v9 =	vld [tilespmem:s13+$0x2460]  }
0x18: {  	v13 =	vld [tilespmem:s13+$0x2450]  }
0x19: {  	v5 =	vld [tilespmem:s13+$0x2420]  }
0x1a: {  	v6 =	vld [tilespmem:s13+$0x2410]  }
0x1b: {  	v12 =	vld [tilespmem:s13+$0x2440]  }
0x1c: {  	v7 =	vld [tilespmem:s13+$0x2400]  }
0x1d: {  	v11 =	vld [tilespmem:s13+$0x2430]  }
0x1e: {  	v10 =	vld [tilespmem:s13+$0x2070]  }
0x1f: {  	v14 =	vld [tilespmem:s13+$0x2060]  }
0x20: {  	v15 =	vld [tilespmem:s13+$0x2050]  }
0x21: {  	v16 =	vld [tilespmem:s13+$0x2040]  }
0x22: {  	v17 =	vld [tilespmem:s13+$0x2010]  }
0x23: {  	v18 =	vld [tilespmem:s13+$0x2000]  }
0x24: {  	v19 =	vld [tilespmem:s13+$0x2030]  }
0x25: {  	v20 =	vld [tilespmem:s13+$0x2020]  }
0x26: {  	v21 =	vld [tilespmem:s13+$0x470]  }
0x27: {  	v25 =	vld [tilespmem:s13+$0x0]  }
0x28: {  	v31 =	vld [tilespmem:s13+$0x10];
	vm0 =	veq.s32 v5, $0x1;
	vm1 =	veq.s32 v6, $0x1;
	v22 =	vshll.u32 v8, $0x1F  }
0x29: {  	v37 =	vld [tilespmem:s13+$0x20];
	vm2 =	veq.s32 v7, $0x1;
	v24 =	vshll.u32 v9, $0x1F;
	vm3 =	veq.s32 v10, $0x1  }
0x2a: {  	v23 =	vld [tilespmem:s13+$0x460];
	vm4 =	veq.s32 v14, $0x1;
	v26 =	vshll.u32 v13, $0x1F;
	v27 =	vshll.u32 v12, $0x1F  }
0x2b: {  	v38 =	vld [tilespmem:s13+$0x30];
	v30 =	vadd.s32 v18, v17;
	v36 =	vshll.u32 v18, $0x1F;
	vm9 =	veq.s32 v18, $0x1  }
0x2c: {  	v28 =	vld [tilespmem:s13+$0x450];
	vm10 =	veq.s32 v17, $0x1;
	v17 =	vshll.u32 v17, $0x1F;
	v18 =	vxor.u32 v25, v36  }
0x2d: {  	v42 =	vld [tilespmem:s13+$0x40];
	v41 =	vshll.u32 v20, $0x1F;
	v17 =	vxor.u32 v31, v17;
	v18 =	vmul.f32 $1.442695020e+00, v18  }
0x2e: {  	v43 =	vshll.u32 v19, $0x1F;
	v25 =	vld [tilespmem:s13+$0x430];
	v37 =	vxor.u32 v37, v41;
	v17 =	vmul.f32 $1.442695020e+00, v17  }
0x2f: {  	v21 =	vxor.u32 v21, v22;
	v22 =	vmul.f32 $1.442695020e+00, v37;
	(erf) = vpow2.f32 v18  }
0x30: {  	v61 =	vld [tilespmem:s13+$0x50];
	(erf) = vpow2.f32 v17;
	v17 =	vxor.u32 v23, v24;
	v24 =	vxor.u32 v38, v43  }
0x31: {  	vm5 =	veq.s32 v15, $0x1;
	v29 =	vshll.u32 v11, $0x1F;
	v31 =	vld [tilespmem:s13+$0x420];
	v24 =	vmul.f32 $1.442695020e+00, v24  }
0x32: {  	v39 =	vshll.u32 v16, $0x1F;
	v23 =	vxor.u32 v28, v26;
	v28 =	vld [tilespmem:s13+$0x60];
	(erf) = vpow2.f32 v22  }
0x33: {  	v22 =	vxor.u32 v25, v29;
	v25 =	vxor.u32 v42, v39;
	(erf) = vpow2.f32 v24  }
0x34: {  	v32 =	vshll.u32 v5, $0x1F;
	vm7 =	veq.s32 v19, $0x1;
	v26 =	vld [tilespmem:s13+$0x70];
	v25 =	vmul.f32 $1.442695020e+00, v25  }
0x35: {  	vm8 =	veq.s32 v20, $0x1;
	v40 =	vshll.u32 v15, $0x1F;
	v20 =	vadd.s32 v20, v30;
	v30 =	vld [tilespmem:s13+$0x400]  }
0x36: {  	v18 =	vshll.u32 v14, $0x1F;
	v29 =	vxor.u32 v31, v32;
	v31 =	vxor.u32 v61, v40  }
0x37: {  	v31 =	vmul.f32 $1.442695020e+00, v31;
	(erf) = vpow2.f32 v25;
	v18 =	vxor.u32 v28, v18  }
0x38: {  	v35 =	vshll.u32 v7, $0x1F;
	v59 =	vshll.u32 v10, $0x1F;
	v18 =	vmul.f32 $1.442695020e+00, v18;
	v25 =	vpop (erf)  }
0x39: {  	v26 =	vxor.u32 v26, v59;
	(erf) = vpow2.f32 v31;
	v25 =	vadd.f32 $0.0e+00, v25  }
0x3a: {  	v28 =	vxor.u32 v30, v35;
	v26 =	vmul.f32 $1.442695020e+00, v26;
	v30 =	vpop (erf);
	(erf) = vpow2.f32 v18  }
0x3b: {  	v62 =	vnsel vm10, $0x0, v30;
	v31 =	vnsel vm9, $0x0, v25;
	v18 =	vadd.f32 v30, v25;
	v30 =	vpop (erf)  }
0x3c: {  	v60 =	vld [tilespmem:s13+$0x410];
	v19 =	vadd.s32 v19, v20;
	(erf) = vpow2.f32 v26;
	v25 =	vadd.f32 v62, v31;
	v20 =	vpop (erf)  }
0x3d: {  	v33 =	vld [tilespmem:s13+$0x440];
	v31 =	vnsel vm8, $0x0, v30;
	v18 =	vadd.f32 v30, v18;
	v26 =	vnsel vm7, $0x0, v20  }
0x3e: {  	vm6 =	veq.s32 v16, $0x1;
	v28 =	vmul.f32 $1.442695020e+00, v28;
	v25 =	vadd.f32 v31, v25  }
0x3f: {  	v34 =	vshll.u32 v6, $0x1F;
	v16 =	vadd.s32 v16, v19;
	v18 =	vadd.f32 v20, v18  }
0x40: {  	v15 =	vadd.s32 v15, v16;
	(erf) = vpow2.f32 v28;
	v20 =	vadd.f32 v26, v25;
	v26 =	vpop (erf)  }
0x41: {  	v14 =	vadd.s32 v14, v15;
	v24 =	vxor.u32 v60, v34;
	v18 =	vadd.f32 v26, v18  }
0x42: {  	v27 =	vxor.u32 v33, v27;
	v10 =	vadd.s32 v10, v14;
	v24 =	vmul.f32 $1.442695020e+00, v24;
	v16 =	vpop (erf)  }
0x43: {  	v22 =	vmul.f32 $1.442695020e+00, v22;
	v28 =	vnsel vm6, $0x0, v26;
	v15 =	vadd.f32 v16, v18  }
0x44: {  	v25 =	vmul.f32 $1.442695020e+00, v29;
	(erf) = vpow2.f32 v24;
	v19 =	vadd.f32 v28, v20;
	v14 =	vpop (erf)  }
0x45: {  	v7 =	vadd.s32 v7, v10;
	v20 =	vnsel vm5, $0x0, v16;
	v10 =	vadd.f32 v14, v15  }
0x46: {  	v6 =	vadd.s32 v6, v7;
	(erf) = vpow2.f32 v25;
	v16 =	vadd.f32 v20, v19  }
0x47: {  	v27 =	vmul.f32 $1.442695020e+00, v27;
	v5 =	vadd.s32 v5, v6;
	v18 =	vnsel vm4, $0x0, v14  }
0x48: {  	v5 =	vadd.s32 v11, v5;
	(erf) = vpow2.f32 v22;
	v7 =	vpop (erf);
	v14 =	vadd.f32 v18, v16  }
0x49: {  	v5 =	vadd.s32 v12, v5;
	v15 =	vnsel vm3, $0x0, v7;
	v6 =	vadd.f32 v7, v10;
	v10 =	vpop (erf)  }
0x4a: {  	(erf) = vpow2.f32 v27;
	v7 =	vadd.f32 v15, v14;
	v14 =	vnsel vm2, $0x0, v10  }
0x4b: {  	v23 =	vmul.f32 $1.442695020e+00, v23;
	v5 =	vadd.s32 v13, v5  }
0x4c: {  	v16 =	vadd.s32 v9, v5;
	v10 =	vadd.f32 v10, v6  }
0x4d: {  	s31 =	simm.s32 $0x100;
	s13 =	simm.s32 $0x80;
	v17 =	vmul.f32 $1.442695020e+00, v17;
	(erf) = vpow2.f32 v23;
	v7 =	vadd.f32 v14, v7;
	v14 =	vpop (erf)  }
0x4e: {  	s14 =	sand.u32 $0x1800, s31;
	s15 =	sand.u32 $0x380, s13;
	v15 =	vnsel vm1, $0x0, v14;
	v14 =	vadd.f32 v14, v10;
	v10 =	vadd.s32 v8, v16  }
0x4f: {  	v21 =	vmul.f32 $1.442695020e+00, v21;
	s14 =	sor.u32 s15, s14;
	v16 =	vpop (erf);
	v18 =	vcvt.s32.f32 v10  }
0x50: {  	v30 =	vld [tilespmem:s14+$0x2010];
	(erf) = vpow2.f32 v17;
	v15 =	vadd.f32 v15, v7;
	v17 =	vnsel vm0, $0x0, v16  }
0x51: {  	v31 =	vld [tilespmem:s14+$0x2000];
	vm0 =	veq.s32 v11, $0x1;
	v14 =	vadd.f32 v16, v14;
	v16 =	vpop (erf);
	v19 =	vperm.xlane v18, v0  }
0x52: {  	v5 =	vld [tilespmem:s14+$0x2460];
	(erf) = vpow2.f32 v21;
	v15 =	vadd.f32 v17, v15;
	v17 =	vnsel vm0, $0x0, v16  }
0x53: {  	v6 =	vld [tilespmem:s14+$0x2470];
	vm0 =	veq.s32 v12, $0x1;
	v14 =	vadd.f32 v16, v14;
	v16 =	vpop (erf);
	v18 =	vadd.f32 v18, v19  }
0x54: {  	vm2 =	veq.s32 v9, $0x1;
	v9 =	vld [tilespmem:s14+$0x2430];
	v15 =	vadd.f32 v17, v15;
	v17 =	vnsel vm0, $0x0, v16  }
0x55: {  	vm3 =	veq.s32 v8, $0x1;
	v8 =	vld [tilespmem:s14+$0x2440];
	v20 =	vperm.xlane v18, v1  }
0x56: {  	vm1 =	veq.s32 v13, $0x1;
	v13 =	vld [tilespmem:s14+$0x2070];
	v16 =	vadd.f32 v16, v14  }
0x57: {  	v7 =	vld [tilespmem:s14+$0x2450];
	v15 =	vadd.f32 v17, v15;
	v17 =	vpop (erf);
	v18 =	vadd.f32 v20, v18  }
0x58: {  	v10 =	vld [tilespmem:s14+$0x2420];
	v19 =	vnsel vm1, $0x0, v17;
	v17 =	vadd.f32 v17, v16  }
0x59: {  	v4 =	vimm.f32 $0.0e+00;
	v11 =	vld [tilespmem:s14+$0x2410];
	v21 =	vpop (erf);
	v19 =	vadd.f32 v19, v15;
	v24 =	vperm.xlane v18, v2  }
0x5a: {  	v29 =	vadd.s32 v31, v30;
	v12 =	vld [tilespmem:s14+$0x2400];
	v23 =	vnsel vm2, $0x0, v21;
	v17 =	vadd.f32 v21, v17  }
0x5b: {  	v22 =	vshll.u32 v6, $0x1F;
	v14 =	vld [tilespmem:s14+$0x2060];
	v20 =	vpop (erf);
	v19 =	vadd.f32 v23, v19;
	v24 =	vadd.f32 v24, v18  }
0x5c: {  	v26 =	vshll.u32 v9, $0x1F;
	v25 =	vshll.u32 v8, $0x1F;
	v16 =	vld [tilespmem:s14+$0x2040];
	v21 =	vnsel vm3, $0x0, v20  }
0x5d: {  	v15 =	vld [tilespmem:s14+$0x2050];
	v20 =	vadd.f32 v20, v17;
	v21 =	vadd.f32 v21, v19;
	v63 =	vperm.xlane v24, v3  }
0x5e: {  	vm0 =	veq.s32 v10, $0x1;
	v28 =	vshll.u32 v7, $0x1F;
	vm1 =	veq.s32 v11, $0x1;
	v17 =	vld [tilespmem:s14+$0x2030]  }
0x5f: {  	v18 =	vperm.xlane v20, v0;
	v27 =	vperm.xlane v21, v0;
	v32 =	vadd.f32 v63, v24;
	v24 =	vld [tilespmem:s14+$0x2020]  }
0x60: {  	vm2 =	veq.s32 v12, $0x1;
	vm4 =	veq.s32 v14, $0x1;
	v23 =	vshll.u32 v5, $0x1F  }
0x61: {  	vm3 =	veq.s32 v13, $0x1;
	v19 =	vadd.f32 v20, v18;
	v18 =	vadd.f32 v21, v27  }
0x62: {  	vm6 =	veq.s32 v16, $0x1;
	vm5 =	veq.s32 v15, $0x1;
	v27 =	vshll.u32 v10, $0x1F  }
0x63: {  	s15 =	simm.s32 $0x200;
	vm7 =	veq.s32 v17, $0x1;
	v21 =	vperm.xlane v19, v1;
	v20 =	vperm.xlane v18, v1  }
.LBB2_2:
0x64: {  	p0 =	sne.s32 s15, $0x1F00;
	vm8 =	veq.s32 v24, $0x1;
	v33 =	vshll.u32 v11, $0x1F;
	v34 =	vld [tilespmem:s14+$0x470];
	v35 =	vsub.f32 $2.560000000e+02, v32  }
0x65: {  	v36 =	vshll.u32 v12, $0x1F;
	v37 =	vld [tilespmem:s14+$0x460];
	v19 =	vadd.f32 v19, v21;
	v18 =	vadd.f32 v18, v20  }
0x66: {  	vm9 =	veq.s32 v31, $0x1;
	vm10 =	veq.s32 v30, $0x1;
	v20 =	vld [tilespmem:s14+$0x0];
	v21 =	vmul.f32 v35, v32  }
0x67: {  	v32 =	vshll.u32 v13, $0x1F;
	v35 =	vld [tilespmem:s14+$0x450];
	v38 =	vperm.xlane v19, v2;
	v39 =	vperm.xlane v18, v2  }
0x68: {  	v41 =	vshll.u32 v16, $0x1F;
	v42 =	vshll.u32 v15, $0x1F;
	v43 =	vshll.u32 v14, $0x1F;
	v40 =	vld [tilespmem:s14+$0x10]  }
0x69: {  	v44 =	vld [tilespmem:s14+$0x440];
	v19 =	vadd.f32 v19, v38;
	v18 =	vadd.f32 v18, v39;
	(erf) = vrcp.f32 v21  }
0x6a: {  	v21 =	vshll.u32 v31, $0x1F;
	v38 =	vshll.u32 v24, $0x1F;
	v39 =	vshll.u32 v17, $0x1F;
	v31 =	vld [tilespmem:s14+$0x20]  }
0x6b: {  	v20 =	vxor.u32 v20, v21;
	v21 =	vld [tilespmem:s14+$0x430];
	v45 =	vperm.xlane v19, v3;
	v46 =	vperm.xlane v18, v3  }
0x6c: {  	v30 =	vshll.u32 v30, $0x1F;
	v22 =	vxor.u32 v34, v22;
	v20 =	vmul.f32 $1.442695020e+00, v20;
	v47 =	vld [tilespmem:s14+$0x30]  }
0x6d: {  	v30 =	vxor.u32 v40, v30;
	v34 =	vld [tilespmem:s14+$0x420];
	v19 =	vadd.f32 v45, v19;
	v18 =	vadd.f32 v46, v18  }
0x6e: {  	v23 =	vxor.u32 v37, v23;
	v30 =	vmul.f32 $1.442695020e+00, v30;
	v40 =	vld [tilespmem:s14+$0x40];
	(erf) = vpow2.f32 v20  }
0x6f: {  	v28 =	vxor.u32 v35, v28;
	v20 =	vxor.u32 v31, v38;
	v31 =	vld [tilespmem:s14+$0x410];
	v19 =	vsub.f32 v19, v18  }
0x70: {  	v25 =	vxor.u32 v44, v25;
	v38 =	vmul.f32 $1.442695020e+00, v20;
	v35 =	vld [tilespmem:s14+$0x50];
	(erf) = vpow2.f32 v30  }
0x71: {  	v21 =	vxor.u32 v21, v26;
	v30 =	vxor.u32 v47, v39;
	v37 =	vld [tilespmem:s14+$0x70];
	v18 =	vmul.f32 v19, v18  }
0x72: {  	v19 =	vadd.s32 v24, v29;
	v24 =	vmul.f32 $1.442695020e+00, v30;
	v26 =	vld [tilespmem:s14+$0x60];
	(erf) = vpow2.f32 v38;
	v20 =	vpop (erf)  }
0x73: {  	v27 =	vxor.u32 v34, v27;
	v29 =	vxor.u32 v40, v41;
	v18 =	vmul.f32 v20, v18  }
0x74: {  	v20 =	vmul.f32 $1.442695020e+00, v29;
	v29 =	vld [tilespmem:s14+$0x400];
	v30 =	vxor.u32 v31, v33;
	(erf) = vpow2.f32 v24  }
0x75: {  	v22 =	vmul.f32 $1.442695020e+00, v22;
	v24 =	vxor.u32 v35, v42;
	v4 =	vadd.f32 v18, v4  }
0x76: {  	v18 =	vmul.f32 $1.442695020e+00, v24;
	v24 =	vxor.u32 v37, v32;
	(erf) = vpow2.f32 v20  }
0x77: {  	v23 =	vmul.f32 $1.442695020e+00, v23;
	v20 =	vxor.u32 v26, v43;
	v26 =	vmul.f32 $1.442695020e+00, v28;
	v28 =	vpop (erf)  }
0x78: {  	v28 =	vadd.f32 $0.0e+00, v28;
	v20 =	vmul.f32 $1.442695020e+00, v20;
	(erf) = vpow2.f32 v18  }
0x79: {  	v25 =	vmul.f32 $1.442695020e+00, v25;
	v18 =	vmul.f32 $1.442695020e+00, v24;
	v24 =	vxor.u32 v29, v36;
	v29 =	vpop (erf)  }
0x7a: {  	v31 =	vnsel vm9, $0x0, v28;
	v32 =	vnsel vm10, $0x0, v29;
	(erf) = vpow2.f32 v20  }
0x7b: {  	v21 =	vmul.f32 $1.442695020e+00, v21;
	v20 =	vadd.f32 v29, v28;
	v28 =	vadd.f32 v32, v31;
	v29 =	vpop (erf)  }
0x7c: {  	v32 =	vmul.f32 $1.442695020e+00, v24;
	v31 =	vnsel vm8, $0x0, v29;
	(erf) = vpow2.f32 v18  }
0x7d: {  	v17 =	vadd.s32 v17, v19;
	v18 =	vadd.f32 v29, v20;
	v20 =	vadd.f32 v31, v28;
	v19 =	vpop (erf)  }
0x7e: {  	v29 =	vmul.f32 $1.442695020e+00, v30;
	v28 =	vnsel vm7, $0x0, v19;
	(erf) = vpow2.f32 v32  }
0x7f: {  	v18 =	vadd.f32 v19, v18;
	v19 =	vadd.f32 v28, v20;
	v20 =	vmul.f32 $1.442695020e+00, v27;
	v24 =	vpop (erf)  }
0x80: {  	v28 =	vadd.s32 v16, v17;
	v27 =	vnsel vm6, $0x0, v24;
	(erf) = vpow2.f32 v29  }
0x81: {  	v17 =	vadd.f32 v24, v18;
	v15 =	vadd.s32 v15, v28;
	v18 =	vadd.f32 v27, v19;
	v16 =	vpop (erf)  }
0x82: {  	v24 =	vadd.s32 v14, v15;
	v19 =	vnsel vm5, $0x0, v16;
	(erf) = vpow2.f32 v20  }
0x83: {  	v15 =	vadd.f32 v16, v17;
	v13 =	vadd.s32 v13, v24;
	v16 =	vadd.f32 v19, v18;
	v14 =	vpop (erf)  }
0x84: {  	v18 =	vadd.s32 v12, v13;
	v17 =	vnsel vm4, $0x0, v14;
	(erf) = vpow2.f32 v21  }
0x85: {  	v19 =	vadd.f32 v14, v15;
	v11 =	vadd.s32 v11, v18;
	v14 =	vadd.f32 v17, v16;
	v12 =	vpop (erf)  }
0x86: {  	v10 =	vadd.s32 v10, v11;
	v15 =	vnsel vm3, $0x0, v12;
	(erf) = vpow2.f32 v25  }
0x87: {  	s13 =	sadd.s32 $0x80, s13;
	v11 =	vadd.f32 v12, v19;
	v10 =	vadd.s32 v9, v10;
	v12 =	vadd.f32 v15, v14;
	v13 =	vpop (erf)  }
0x88: {  	s16 =	sand.u32 $0x380, s13;
	s14 =	sand.u32 $0x1800, s15;
	v10 =	vadd.s32 v8, v10;
	v14 =	vnsel vm2, $0x0, v13;
	(erf) = vpow2.f32 v26  }
0x89: {  	s14 =	sor.u32 s16, s14;
	v11 =	vadd.f32 v13, v11;
	v10 =	vadd.s32 v7, v10;
	v12 =	vadd.f32 v14, v12;
	v13 =	vpop (erf)  }
0x8a: {  	v10 =	vadd.s32 v5, v10;
	v14 =	vld [tilespmem:s14+$0x2470];
	v15 =	vnsel vm1, $0x0, v13;
	(erf) = vpow2.f32 v23  }
0x8b: {  	v11 =	vadd.f32 v13, v11;
	v10 =	vadd.s32 v6, v10;
	v16 =	vld [tilespmem:s14+$0x2460];
	v12 =	vadd.f32 v15, v12;
	v13 =	vpop (erf)  }
0x8c: {  	v18 =	vcvt.s32.f32 v10;
	v15 =	vld [tilespmem:s14+$0x2450];
	v17 =	vnsel vm0, $0x0, v13;
	(erf) = vpow2.f32 v22  }
0x8d: {  	v13 =	vadd.f32 v13, v11;
	vm0 =	veq.s32 v9, $0x1;
	v10 =	vld [tilespmem:s14+$0x2420];
	v12 =	vadd.f32 v17, v12;
	v9 =	vpop (erf)  }
0x8e: {  	vm3 =	veq.s32 v6, $0x1;
	v21 =	vperm.xlane v18, v0;
	v11 =	vld [tilespmem:s14+$0x2410];
	v17 =	vnsel vm0, $0x0, v9  }
0x8f: {  	v13 =	vadd.f32 v9, v13;
	vm0 =	veq.s32 v8, $0x1;
	v17 =	vadd.f32 v17, v12;
	v8 =	vld [tilespmem:s14+$0x2440];
	v19 =	vpop (erf)  }
0x90: {  	vm2 =	veq.s32 v5, $0x1;
	v18 =	vadd.f32 v18, v21;
	v6 =	vmovc v14;
	v12 =	vld [tilespmem:s14+$0x2400];
	v20 =	vnsel vm0, $0x0, v19;
	v5 =	vmovc v16  }
0x91: {  	vm1 =	veq.s32 v7, $0x1;
	v16 =	vadd.f32 v19, v13;
	v9 =	vld [tilespmem:s14+$0x2430];
	v17 =	vadd.f32 v20, v17;
	v19 =	vpop (erf)  }
0x92: {  	v21 =	vperm.xlane v18, v1;
	v7 =	vmovc v15;
	v13 =	vld [tilespmem:s14+$0x2070];
	vm0 =	veq.s32 v10, $0x1;
	v22 =	vnsel vm1, $0x0, v19  }
0x93: {  	v19 =	vadd.f32 v19, v16;
	v14 =	vld [tilespmem:s14+$0x2060];
	vm1 =	veq.s32 v11, $0x1;
	v17 =	vadd.f32 v22, v17;
	v20 =	vpop (erf)  }
0x94: {  	v22 =	vshll.u32 v6, $0x1F;
	v18 =	vadd.f32 v21, v18;
	v15 =	vld [tilespmem:s14+$0x2050];
	v23 =	vnsel vm2, $0x0, v20  }
0x95: {  	v19 =	vadd.f32 v20, v19;
	v16 =	vld [tilespmem:s14+$0x2040];
	vm2 =	veq.s32 v12, $0x1;
	v17 =	vadd.f32 v23, v17;
	v20 =	vpop (erf)  }
0x96: {  	v23 =	vshll.u32 v5, $0x1F;
	v24 =	vperm.xlane v18, v2;
	v30 =	vld [tilespmem:s14+$0x2010];
	v21 =	vnsel vm3, $0x0, v20  }
0x97: {  	v19 =	vadd.f32 v20, v19;
	v31 =	vld [tilespmem:s14+$0x2000];
	vm3 =	veq.s32 v13, $0x1;
	v20 =	vadd.f32 v21, v17  }
0x98: {  	v28 =	vshll.u32 v7, $0x1F;
	v21 =	vadd.f32 v24, v18;
	v17 =	vld [tilespmem:s14+$0x2030];
	vm4 =	veq.s32 v14, $0x1  }
.Ltmp0:
0x99: {  	v25 =	vshll.u32 v8, $0x1F;
	v18 =	vperm.xlane v19, v0;
	v24 =	vld [tilespmem:s14+$0x2020];
	v27 =	vperm.xlane v20, v0;
	(pc) =	sbr.rel @p0 .LBB2_2-.Ltmp0, $4  }
0x9a: {  	v26 =	vshll.u32 v9, $0x1F;
	vm5 =	veq.s32 v15, $0x1;
	v32 =	vperm.xlane v21, v3  }
0x9b: {  	vm6 =	veq.s32 v16, $0x1;
	v19 =	vadd.f32 v19, v18;
	v18 =	vadd.f32 v20, v27  }
0x9c: {  	v27 =	vshll.u32 v10, $0x1F;
	v32 =	vadd.f32 v32, v21;
	v29 =	vadd.s32 v31, v30  }
0x9d: {  	s15 =	sadd.s32 $0x100, s15;
	v21 =	vperm.xlane v19, v1;
	vm7 =	veq.s32 v17, $0x1;
	v20 =	vperm.xlane v18, v1  }
0x9e: {  	v33 =	vld [tilespmem:s14+$0x470]  }
0x9f: {  	v34 =	vld [tilespmem:s14+$0x460]  }
0xa0: {  	v35 =	vld [tilespmem:s14+$0x0]  }
0xa1: {  	v36 =	vld [tilespmem:s14+$0x450]  }
0xa2: {  	v37 =	vld [tilespmem:s14+$0x10]  }
0xa3: {  	vm8 =	veq.s32 v24, $0x1;
	v41 =	vld [tilespmem:s14+$0x440]  }
0xa4: {  	v38 =	vshll.u32 v11, $0x1F;
	v39 =	vsub.f32 $2.560000000e+02, v32;
	v40 =	vshll.u32 v12, $0x1F;
	v42 =	vld [tilespmem:s14+$0x20]  }
0xa5: {  	vm9 =	veq.s32 v31, $0x1;
	vm10 =	veq.s32 v30, $0x1;
	v54 =	vshll.u32 v31, $0x1F;
	v56 =	vld [tilespmem:s14+$0x430]  }
0xa6: {  	v55 =	vshll.u32 v13, $0x1F;
	v44 =	vld [tilespmem:s14+$0x30];
	v32 =	vmul.f32 v39, v32;
	v31 =	vxor.u32 v35, v54  }
0xa7: {  	v43 =	vshll.u32 v16, $0x1F;
	v57 =	vshll.u32 v30, $0x1F;
	v58 =	vld [tilespmem:s14+$0x420];
	v31 =	vmul.f32 $1.442695020e+00, v31  }
0xa8: {  	v45 =	vshll.u32 v15, $0x1F;
	v46 =	vld [tilespmem:s14+$0x40];
	(erf) = vrcp.f32 v32;
	v30 =	vxor.u32 v37, v57  }
0xa9: {  	v59 =	vshll.u32 v24, $0x1F;
	v61 =	vld [tilespmem:s14+$0x410];
	v30 =	vmul.f32 $1.442695020e+00, v30;
	(erf) = vpow2.f32 v31  }
0xaa: {  	v60 =	vshll.u32 v14, $0x1F;
	v47 =	vshll.u32 v17, $0x1F;
	v63 =	vld [tilespmem:s14+$0x50];
	v37 =	vxor.u32 v42, v59  }
0xab: {  	v48 =	vld [tilespmem:s14+$0x60];
	v49 =	vadd.s32 v24, v29;
	v62 =	vmul.f32 $1.442695020e+00, v37;
	(erf) = vpow2.f32 v30  }
0xac: {  	v51 =	vld [tilespmem:s14+$0x400];
	v22 =	vxor.u32 v33, v22;
	v23 =	vxor.u32 v34, v23;
	v44 =	vxor.u32 v44, v47  }
0xad: {  	v28 =	vxor.u32 v36, v28;
	v47 =	vld [tilespmem:s14+$0x70];
	v30 =	vmul.f32 $1.442695020e+00, v44;
	(erf) = vpow2.f32 v62  }
0xae: {  	v25 =	vxor.u32 v41, v25;
	v26 =	vxor.u32 v56, v26;
	v50 =	vxor.u32 v46, v43  }
0xaf: {  	v27 =	vxor.u32 v58, v27;
	v29 =	vmul.f32 $1.442695020e+00, v50;
	(erf) = vpow2.f32 v30  }
0xb0: {  	v52 =	vxor.u32 v61, v38;
	v53 =	vxor.u32 v63, v45;
	v35 =	vmul.f32 $1.442695020e+00, v22  }
0xb1: {  	v54 =	vxor.u32 v48, v60;
	v33 =	vmul.f32 $1.442695020e+00, v53;
	v22 =	vpop (erf);
	(erf) = vpow2.f32 v29  }
0xb2: {  	v32 =	vxor.u32 v51, v40;
	v28 =	vmul.f32 $1.442695020e+00, v28;
	v34 =	vxor.u32 v47, v55;
	v55 =	vpop (erf)  }
0xb3: {  	v29 =	vmul.f32 $1.442695020e+00, v54;
	(erf) = vpow2.f32 v33;
	v31 =	vadd.f32 $0.0e+00, v55  }
0xb4: {  	v40 =	vadd.s32 v17, v49;
	v23 =	vmul.f32 $1.442695020e+00, v23;
	v56 =	vmul.f32 $1.442695020e+00, v34;
	v57 =	vpop (erf)  }
0xb5: {  	(erf) = vpow2.f32 v29;
	v59 =	vnsel vm10, $0x0, v57;
	v58 =	vnsel vm9, $0x0, v31  }
0xb6: {  	v25 =	vmul.f32 $1.442695020e+00, v25;
	v62 =	vpop (erf);
	v60 =	vadd.f32 v57, v31;
	v61 =	vadd.f32 v59, v58  }
0xb7: {  	v32 =	vmul.f32 $1.442695020e+00, v32;
	(erf) = vpow2.f32 v56;
	v63 =	vnsel vm8, $0x0, v62  }
0xb8: {  	v26 =	vmul.f32 $1.442695020e+00, v26;
	v41 =	vpop (erf);
	v29 =	vadd.f32 v62, v60;
	v31 =	vadd.f32 v63, v61  }
0xb9: {  	v30 =	vmul.f32 $1.442695020e+00, v52;
	(erf) = vpow2.f32 v32;
	v42 =	vnsel vm7, $0x0, v41  }
0xba: {  	v27 =	vmul.f32 $1.442695020e+00, v27;
	v44 =	vpop (erf);
	v24 =	vadd.f32 v41, v29;
	v43 =	vadd.f32 v42, v31  }
0xbb: {  	v46 =	vadd.s32 v16, v40;
	(erf) = vpow2.f32 v30;
	v45 =	vnsel vm6, $0x0, v44  }
0xbc: {  	v49 =	vadd.s32 v15, v46;
	v47 =	vadd.f32 v44, v24;
	v50 =	vpop (erf);
	v48 =	vadd.f32 v45, v43  }
0xbd: {  	v52 =	vadd.s32 v14, v49;
	(erf) = vpow2.f32 v27;
	v51 =	vnsel vm5, $0x0, v50  }
0xbe: {  	v55 =	vadd.s32 v13, v52;
	v56 =	vpop (erf);
	v53 =	vadd.f32 v50, v47;
	v54 =	vadd.f32 v51, v48  }
0xbf: {  	v58 =	vadd.s32 v12, v55;
	(erf) = vpow2.f32 v26;
	v57 =	vnsel vm4, $0x0, v56  }
0xc0: {  	v61 =	vadd.s32 v11, v58;
	v62 =	vpop (erf);
	v59 =	vadd.f32 v56, v53;
	v60 =	vadd.f32 v57, v54  }
0xc1: {  	v10 =	vadd.s32 v10, v61;
	(erf) = vpow2.f32 v25;
	v63 =	vnsel vm3, $0x0, v62  }
0xc2: {  	v10 =	vadd.s32 v9, v10;
	v24 =	vpop (erf);
	v16 =	vadd.f32 v62, v59;
	v17 =	vadd.f32 v63, v60  }
0xc3: {  	v10 =	vadd.s32 v8, v10;
	(erf) = vpow2.f32 v28;
	v25 =	vnsel vm2, $0x0, v24  }
0xc4: {  	v10 =	vadd.s32 v7, v10;
	v26 =	vpop (erf);
	v11 =	vadd.f32 v24, v16;
	v12 =	vadd.f32 v25, v17  }
0xc5: {  	v10 =	vadd.s32 v5, v10;
	(erf) = vpow2.f32 v23;
	v27 =	vnsel vm1, $0x0, v26  }
0xc6: {  	v10 =	vadd.s32 v6, v10;
	v28 =	vpop (erf);
	v11 =	vadd.f32 v26, v11;
	v12 =	vadd.f32 v27, v12  }
0xc7: {  	v10 =	vcvt.s32.f32 v10;
	(erf) = vpow2.f32 v35;
	v29 =	vnsel vm0, $0x0, v28  }
0xc8: {  	vm11 =	veq.s32 v9, $0x1;
	v30 =	vpop (erf);
	v11 =	vadd.f32 v28, v11;
	v12 =	vadd.f32 v29, v12  }
0xc9: {  	v32 =	vperm.xlane v10, v0;
	v31 =	vnsel vm11, $0x0, v30  }
0xca: {  	vm12 =	veq.s32 v8, $0x1;
	v34 =	vpop (erf);
	v9 =	vadd.f32 v30, v11;
	v33 =	vadd.f32 v31, v12  }
0xcb: {  	v10 =	vadd.f32 v10, v32;
	v35 =	vnsel vm12, $0x0, v34  }
0xcc: {  	vm13 =	veq.s32 v7, $0x1;
	v37 =	vpop (erf);
	v8 =	vadd.f32 v34, v9;
	v36 =	vadd.f32 v35, v33  }
0xcd: {  	v39 =	vperm.xlane v10, v1;
	v38 =	vnsel vm13, $0x0, v37  }
0xce: {  	vm14 =	veq.s32 v5, $0x1;
	v41 =	vpop (erf);
	v5 =	vadd.f32 v37, v8;
	v40 =	vadd.f32 v38, v36  }
0xcf: {  	v10 =	vadd.f32 v39, v10;
	v42 =	vnsel vm14, $0x0, v41  }
0xd0: {  	vm15 =	veq.s32 v6, $0x1;
	v44 =	vpop (erf);
	v5 =	vadd.f32 v41, v5;
	v43 =	vadd.f32 v42, v40  }
0xd1: {  	v46 =	vperm.xlane v10, v2;
	v45 =	vnsel vm15, $0x0, v44  }
0xd2: {  	v5 =	vadd.f32 v44, v5;
	v6 =	vadd.f32 v45, v43  }
0xd3: {  	v47 =	vadd.f32 v46, v10  }
0xd4: {  	v48 =	vperm.xlane v5, v0;
	v49 =	vperm.xlane v6, v0  }
0xd5: {  	v52 =	vadd.f32 v18, v20;
	v51 =	vperm.xlane v47, v3  }
0xd6: {  	v5 =	vadd.f32 v5, v48;
	v6 =	vadd.f32 v6, v49  }
0xd7: {  	v50 =	vadd.f32 v19, v21;
	v7 =	vadd.f32 v51, v47  }
0xd8: {  	v53 =	vperm.xlane v5, v1;
	v54 =	vperm.xlane v6, v1  }
0xd9: {  	v55 =	vperm.xlane v50, v2;
	v56 =	vperm.xlane v52, v2;
	v57 =	vsub.f32 $2.560000000e+02, v7  }
0xda: {  	v5 =	vadd.f32 v5, v53;
	v6 =	vadd.f32 v6, v54  }
0xdb: {  	v58 =	vadd.f32 v50, v55;
	v8 =	vadd.f32 v52, v56;
	v7 =	vmul.f32 v57, v7  }
0xdc: {  	v59 =	vperm.xlane v5, v2;
	v11 =	vperm.xlane v6, v2  }
0xdd: {  	v12 =	vperm.xlane v58, v3;
	v13 =	vperm.xlane v8, v3  }
0xde: {  	(erf) = vrcp.f32 v7;
	v5 =	vadd.f32 v5, v59;
	v6 =	vadd.f32 v6, v11  }
0xdf: {  	v60 =	vadd.f32 v12, v58;
	v8 =	vadd.f32 v13, v8  }
0xe0: {  	v61 =	vperm.xlane v5, v3;
	v62 =	vperm.xlane v6, v3  }
0xe1: {  	v7 =	vsub.f32 v60, v8  }
0xe2: {  	v5 =	vadd.f32 v61, v5;
	v6 =	vadd.f32 v62, v6;
	_ =	sdelay $0x1  }
0xe3: {  	v7 =	vmul.f32 v7, v8;
	v5 =	vsub.f32 v5, v6;
	_ =	sdelay $0x1  }
0xe4: {  	v7 =	vmul.f32 v22, v7;
	v5 =	vmul.f32 v5, v6  }
0xe5: {  	v63 =	vpop (erf)  }
0xe6: {  	v4 =	vadd.f32 v7, v4;
	v5 =	vmul.f32 v63, v5;
	_ =	sdelay $0x1  }
0xe7: {  	v4 =	vadd.f32 v5, v4;
	_ =	sdelay $0x1  }
0xe8: {  	s12 =	sadd.s32 $0x1, s12;
	v4 =	vmul.f32 $6.103515630e-05, v4  }
0xe9: {  	p0 =	sne.s32 s12, s6  }
.Ltmp1:
0xea: {  	[tilespmem:$0x4000] =	vst v4;
	(pc) =	sbr.rel @p0 .LBB2_1-.Ltmp1, $4  }
0xeb: {  	[hbm4b:s5+s2] =	stream.linear.scatter [tilespmem:s10], [sflag:$0x3], $0x80, $0x38;
	[tilespmem:$0x4080] =	vst v63  }
0xec: {  	_ =	swait.ge [sflag:s11], $0x80  }
0xed: {  	[sflag:s11] =	ssyncset.done $0x0  }
0xee: {  	[sflag:s11] =	ssyncadd.s32 $0xFFFFFF80  }
0xef: {  	_ =	sfence.sel $0x180000  }
0xf0: {  	[bflag:$0x0] =	sbarrier.arrive $0xFFFF  }
0xf1: {  	p0 =	sne.s32 s1, $0x0;
	_ =	strace $0x90000047  }
0xf2: {  	s0 =	sadd.s32 @!p0 $0x100000, s0;
	[bflag:$0x2] =	sbarrier.arrive $0xFFFF  }
0xf3: {  	[sflag:s0] =	ssyncadd.tile.s32 @!p0 $0x1;
	_ =	shalt  }
.Lfunc_end2:
_tile_overlayer_lowered:
.L_overlay_start_2:
0xf4: {  	(tag) =	ssettag $0x2  }
0xf5: {  	s0 =	rddreg [dreg:$0x0];
	s2 =	stileid.u32  }
0xf6: {  	s1 =	rddreg [dreg:$0x1];
	p0 =	sne.s32 s2, $0x0  }
0xf7: {  	s3 =	rddreg [dreg:$0x2];
	[bflag:$0x3] =	sbarrier.arrive $0xFFFF;
	s2 =	simm.s32 @!p0 $0x1C03  }
0xf8: {  	[timem:s3], [sflag:s2] =	dma.local @!p0 [hbm:s0], s1  }
0xf9: {  	s0 =	simm.s32 @!p0 $0x3  }
0xfa: {  	_ =	swait.ge @!p0 [sflag:s0], s1  }
0xfb: {  	s1 =	ssub.s32 @!p0 $0x0, s1;
	[sflag:s0] =	ssyncset.done @!p0 $0x0  }
0xfc: {  	[sflag:s0] =	ssyncadd.s32 @!p0 s1  }
0xfd: {  	[bflag:$0x3] =	sbarrier.arrive $0xFFFF  }
0xfe: {  	_ =	shalt  }

</sc_bundles>
